<compile_context>
chip_gen: v7x
topology: tpu7x:2x2x1
jax: 0.10.2.dev20260603
libtpu: 0.0.44.dev20260713+nightly
codegen_flags: <defaults>
</compile_context>

<pallas_src>
import functools

import jax
import jax.numpy as jnp
from jax import lax
from jax.experimental import pallas as pl
from jax.experimental.pallas import tpu as pltpu
from jax.experimental.pallas import tpu_sc as plsc

D = 768
SEQ = 8192
B = 4
T = 256
NT = SEQ // T
EPS = 1e-8
THR = 0.5
N_TGT = 6.0
RATIO_W = 0.03
PPW = 8

NW = 32
ROWS_PER_W = (B * SEQ) // NW
CH = 64
LANE = 16


def _tc_body(tok_ref, w_ref, sk_ref, pp_hbm, aux_ref,
             pp_ref, carry_ref, base_ref, sumg_ref, sem2):
    b = pl.program_id(0)
    t = pl.program_id(1)

    x = tok_ref[0]
    qk = jnp.dot(x, w_ref[...], preferred_element_type=jnp.float32)
    q = qk[:, :D]
    k = qk[:, D:]

    carry = jnp.where(t == 0, sk_ref[...], carry_ref[...])
    kprev = jnp.concatenate([carry, k[:-1, :]], axis=0)
    carry_ref[...] = k[T - 1:T, :]

    dot = jnp.sum(q * kprev, axis=1, keepdims=True)
    qn = jnp.sqrt(jnp.sum(q * q, axis=1, keepdims=True))
    kn = jnp.sqrt(jnp.sum(kprev * kprev, axis=1, keepdims=True))
    den = jnp.maximum(qn, EPS) * jnp.maximum(kn, EPS)
    cos = dot / den
    probs = (1.0 - cos) * 0.5

    pos0 = t * T
    sub_iota = jax.lax.broadcasted_iota(jnp.int32, (T, 1), 0)
    boundary = jnp.logical_or(probs > THR, (sub_iota + pos0) == 0)
    bf = boundary.astype(jnp.float32)

    row_i = jax.lax.broadcasted_iota(jnp.int32, (T, T), 0)
    col_i = jax.lax.broadcasted_iota(jnp.int32, (T, T), 1)
    tri = (col_i < row_i).astype(jnp.float32)
    ranks_f = jax.lax.dot_general(tri, bf, (((1,), (0,)), ((), ())))
    ranks = ranks_f.astype(jnp.int32)
    cnt = jnp.sum(bf).astype(jnp.int32)

    base_prev = jnp.where(t == 0, 0, base_ref[0])
    a8 = pl.multiple_of((base_prev // 8) * 8, 8)
    r = base_prev - a8

    col_i8 = jax.lax.broadcasted_iota(jnp.int32, (T, T + 8), 1)
    P = jnp.where(jnp.logical_and(boundary, col_i8 == ranks + r), 1.0, 0.0)

    posf = (sub_iota + pos0).astype(jnp.float32)
    extra = jnp.concatenate(
        [probs, posf, jnp.zeros((T, PPW - 2), jnp.float32)], axis=1)

    Pb = P.astype(jnp.bfloat16)
    hi = extra.astype(jnp.bfloat16)
    mid = (extra - hi.astype(jnp.float32)).astype(jnp.bfloat16)
    dn = (((0,), (0,)), ((), ()))
    ext_extra = (jax.lax.dot_general(Pb, hi, dn,
                                     preferred_element_type=jnp.float32)
                 + jax.lax.dot_general(Pb, mid, dn,
                                       preferred_element_type=jnp.float32))

    @pl.when(jnp.logical_and(t == 0, b > 0))
    def _drain():
        pltpu.make_async_copy(pp_ref, pp_hbm.at[b - 1], sem2).wait()

    pp_ref[pl.ds(pos0, T), :] = jnp.zeros((T, PPW), jnp.float32)

    @pl.when(t == 0)
    def _zero_tail():
        pp_ref[pl.ds(SEQ, PPW), :] = jnp.zeros((PPW, PPW), jnp.float32)

    iota8 = jax.lax.broadcasted_iota(jnp.int32, (T + 8, 1), 0)
    sent = jnp.concatenate(
        [jnp.zeros((1, 1), jnp.float32),
         jnp.full((1, 1), float(SEQ), jnp.float32),
         jnp.zeros((1, PPW - 2), jnp.float32)], axis=1)
    is_last = t == NT - 1
    ext_extra = ext_extra + jnp.where(
        jnp.logical_and(is_last, iota8 == cnt + r), sent, 0.0)

    keep = iota8 < r
    old_extra = pp_ref[pl.ds(a8, T + 8), :]
    pp_ref[pl.ds(a8, T + 8), :] = jnp.where(keep, old_extra, ext_extra)
    base_ref[0] = base_prev + cnt

    sumg = jnp.where(t == 0, 0.0, sumg_ref[0]) + jnp.sum(probs)
    sumg_ref[0] = sumg

    @pl.when(is_last)
    def _finish():
        pltpu.make_async_copy(pp_ref, pp_hbm.at[b], sem2).start()

        @pl.when(b == B - 1)
        def _final_drain():
            pltpu.make_async_copy(pp_ref, pp_hbm.at[b], sem2).wait()

        nb = base_prev + cnt
        F = nb.astype(jnp.float32) / SEQ
        G = sumg / SEQ
        auxb = (N_TGT / (N_TGT - 1.0)) * (
            (N_TGT - 1.0) * F * G + (1.0 - F) * (1.0 - G))
        contrib = auxb * (RATIO_W / B)
        prev = jnp.where(b == 0, 0.0, aux_ref[0, 0])
        aux_ref[0, 0] = prev + contrib


def _tc_stage(tokens, W_qk, start_key):
    return pl.pallas_call(
        _tc_body,
        grid=(B, NT),
        in_specs=[
            pl.BlockSpec((1, T, D), lambda b, t: (b, t, 0)),
            pl.BlockSpec((D, 2 * D), lambda b, t: (0, 0)),
            pl.BlockSpec((1, D), lambda b, t: (0, 0)),
        ],
        out_specs=[
            pl.BlockSpec(memory_space=pl.ANY),
            pl.BlockSpec((1, 1), lambda b, t: (0, 0),
                         memory_space=pltpu.SMEM),
        ],
        out_shape=[
            jax.ShapeDtypeStruct((B, SEQ + PPW, PPW), jnp.float32),
            jax.ShapeDtypeStruct((1, 1), jnp.float32),
        ],
        scratch_shapes=[
            pltpu.VMEM((SEQ + PPW, PPW), jnp.float32),
            pltpu.VMEM((1, D), jnp.float32),
            pltpu.SMEM((1,), jnp.int32),
            pltpu.SMEM((1,), jnp.float32),
            pltpu.SemaphoreType.DMA,
        ],
        compiler_params=pltpu.CompilerParams(
            dimension_semantics=("arbitrary", "arbitrary")),
    )(tokens, W_qk, start_key)


def _sc_body(tok_hbm, idx_hbm, pr_hbm, down_hbm, idx_v, pr_v, rows_v, sem):
    wid = lax.axis_index("s") * 2 + lax.axis_index("c")
    b = wid // (NW // B)
    part = wid % (NW // B)
    c0 = part * ROWS_PER_W
    lane_iota = lax.iota(jnp.int32, LANE)

    def chunk(i, carry):
        start = c0 + i * CH
        pltpu.sync_copy(idx_hbm.at[b, pl.ds(start, CH)], idx_v)
        pltpu.sync_copy(pr_hbm.at[b, pl.ds(start, CH)], pr_v.at[pl.ds(0, CH)])
        pltpu.async_copy(tok_hbm.at[b].at[idx_v], rows_v, sem).wait()

        def scale_row(row, c2):
            pr16 = pr_v[pl.ds(row, LANE)]
            splat = lax.gather(
                pr16, (lane_iota * 0)[:, None],
                lax.GatherDimensionNumbers(
                    offset_dims=(), collapsed_slice_dims=(0,),
                    start_index_map=(0,)),
                (1,), mode=lax.GatherScatterMode.PROMISE_IN_BOUNDS)
            for c in range(D // LANE):
                sl = pl.ds(c * LANE, LANE)
                rows_v[row, sl] = rows_v[row, sl] * splat
            return c2

        lax.fori_loop(0, CH, scale_row, 0)
        pltpu.sync_copy(rows_v, down_hbm.at[b, pl.ds(start, CH), :])
        return carry

    lax.fori_loop(0, ROWS_PER_W // CH, chunk, 0)


def _sc_stage(tokens, pos_idx, probs_packed):
    mesh = plsc.VectorSubcoreMesh(core_axis_name="c", subcore_axis_name="s")
    f = functools.partial(
        pl.kernel,
        mesh=mesh,
        out_type=jax.ShapeDtypeStruct((B, SEQ, D), jnp.float32),
        scratch_types=[
            pltpu.VMEM((CH,), jnp.int32),
            pltpu.VMEM((CH + LANE,), jnp.float32),
            pltpu.VMEM((CH, D), jnp.float32),
            pltpu.SemaphoreType.DMA,
        ],
    )(_sc_body)
    return f(tokens, pos_idx, probs_packed)


def kernel(tokens, W_qk, start_key):
    pp, aux = _tc_stage(tokens, W_qk, start_key)
    probs_packed = pp[:, :SEQ, 0]
    sel = jnp.round(pp[:, :SEQ + 1, 1]).astype(jnp.int32)
    pos_idx = jnp.minimum(sel[:, :SEQ], SEQ - 1)
    down = _sc_stage(tokens, pos_idx, probs_packed)
    chunk_lens = jnp.maximum(sel[:, 1:] - sel[:, :-1], 0)
    gates = 1.0 - probs_packed
    return down, chunk_lens, gates, aux.reshape(())

# --- scband reference (transcript-rebuilt; emitter-appended) ---
"""Pipeline reference for scband-multi-head-dynamic-sequence-chunker-47141561041257 (READ-ONLY COPY).

The authoritative reference and input builder live on the scoring server;
editing this copy changes nothing except your own understanding.
"""

import jax, jax.numpy as jnp
import numpy as np

DIM = 768
BATCH = 4
SEQ = 8192
THR = 0.5
N_TGT = 6.0
RATIO_W = 0.03


def _cos_sim(a, b, eps=1e-8):
    num = jnp.sum(a * b, axis=-1)
    den = jnp.maximum(jnp.linalg.norm(a, axis=-1), eps) * jnp.maximum(jnp.linalg.norm(b, axis=-1), eps)
    return num / den


def setup_inputs(seed: int = 0) -> dict:
    key = jax.random.key(seed)
    k1, k2, k3 = jax.random.split(key, 3)
    tokens = jax.random.normal(k1, (BATCH, SEQ, DIM), dtype=jnp.float32)
    # Linear(dim, heads*dim_qk*2, bias=False) with heads=1, dim_qk=dim -> weight [dim, 2*dim] (x @ W)
    W_qk = jax.random.normal(k2, (DIM, 2 * DIM), dtype=jnp.float32) / np.sqrt(DIM)
    # start_key_token: Parameter(randn(heads, dim_qk) * 0.01)
    start_key = jax.random.normal(k3, (1, DIM), dtype=jnp.float32) * 0.01
    return {"tokens": tokens, "W_qk": W_qk, "start_key": start_key}


def reference(tokens, W_qk, start_key):
    b, n, d = tokens.shape
    # queries / keys projection (heads=1, so split_heads/merge with batch is identity)
    qk = tokens @ W_qk
    queries, keys = jnp.split(qk, 2, axis=-1)
    start_keys = jnp.broadcast_to(start_key[None, :, :], (b, 1, d))
    keys = jnp.concatenate([start_keys, keys], axis=1)
    cos = _cos_sim(queries, keys[:, :-1])
    probs = (1.0 - cos) * 0.5
    boundary = probs > THR
    boundary = boundary.at[:, 0].set(True)
    # boundary mask with forced end boundary; emulate jagged sel_indices via sort with
    # sentinel padding (torch nested_tensor.to_padded_tensor(padding=-1))
    idx = jnp.arange(n + 1)
    bwe = jnp.concatenate([boundary, jnp.ones((b, 1), dtype=bool)], axis=1)
    sel = jnp.where(bwe, idx[None, :], (n + 1) + idx[None, :])
    sel = jnp.sort(sel, axis=-1)
    sel = jnp.where(sel > n, -1, sel)
    mask = sel[:, 1:] != -1
    chunk_lens = jnp.where(mask, sel[:, 1:] - sel[:, :-1], 0)
    # pack boundary tokens / probs to the front per row (jagged -> padded tensor)
    pos = jnp.arange(n)
    order = jnp.argsort(jnp.where(boundary, pos[None, :], n + pos[None, :]), axis=-1)
    gath_tok = jnp.take_along_axis(tokens, order[:, :, None], axis=1)
    gath_tok = jnp.where(mask[:, :, None], gath_tok, 0.0)
    gath_probs = jnp.where(mask, jnp.take_along_axis(probs, order, axis=1), 0.0)
    gates = 1.0 - gath_probs
    downsampled = gath_tok * gath_probs[:, :, None]
    # aux ratio loss with straight-through boundary fraction
    F_hard = boundary.astype(jnp.float32)
    F_soft = jax.nn.sigmoid(probs - THR)
    F = F_soft + jax.lax.stop_gradient(F_hard - F_soft)
    F = F.mean(axis=-1)
    G = probs.mean(axis=-1)
    aux = (N_TGT / (N_TGT - 1.0)) * ((N_TGT - 1.0) * F * G + (1.0 - F) * (1.0 - G))
    aux_loss = aux.mean()
    weighted_aux_loss = aux_loss * RATIO_W
    return downsampled, chunk_lens, gates, weighted_aux_loss

if __name__ == "__main__":
    import jax
    _d = setup_inputs()
    print(jax.jit(kernel)(*tuple(_d.values())))

</pallas_src>

<mosaic_0001>
#map = affine_map<(d0, d1) -> (0, 0, 0)>
#map1 = affine_map<(d0, d1) -> (0, 0)>
module attributes {stable_mosaic.version = 14 : i64} {
  func.func @_sc_body(%arg0: i32, %arg1: i32, %arg2: memref<4x8192x768xf32, #tpu.memory_space<hbm>>, %arg3: memref<4x8192xi32, #tpu.memory_space<hbm>>, %arg4: memref<4x8192xf32, #tpu.memory_space<hbm>>, %arg5: memref<4x8192x768xf32, #tpu.memory_space<hbm>>, %arg6: memref<64xi32, #tpu.memory_space<vmem>>, %arg7: memref<80xf32, #tpu.memory_space<vmem>>, %arg8: memref<64x768xf32, #tpu.memory_space<vmem>>, %arg9: memref<!tpu.dma_semaphore, #tpu.memory_space<semaphore_mem>>) attributes {dimension_semantics = [#tpu.dimension_semantics<core_parallel>, #tpu.dimension_semantics<subcore_parallel>], iteration_bounds = array<i64: 2, 16>, scalar_prefetch = 0 : i64, scratch_operands = 4 : i64, tpu.core_type = #tpu.core_type<sc_vector_subcore>, window_params = [{transform_indices = #map}, {transform_indices = #map1}, {transform_indices = #map1}, {transform_indices = #map}]} {
    %mul3A = arith.constant 2 : i32
    %mul3A_0 = arith.muli %arg1, %mul3A : i32
    %add3A = arith.addi %mul3A_0, %arg0 : i32
    %jit3A = arith.constant 8 : i32
    %div3A = arith.divsi %add3A, %jit3A : i32
    %sign3A = arith.constant 0 : i32
    %sign3A_1 = arith.cmpi sgt, %add3A, %sign3A : i32
    %sign3A_2 = arith.extui %sign3A_1 : i1 to i32
    %sign3A_3 = arith.constant 0 : i32
    %sign3A_4 = arith.cmpi slt, %add3A, %sign3A_3 : i32
    %sign3A_5 = arith.extui %sign3A_4 : i1 to i32
    %sign3A_6 = arith.subi %sign3A_2, %sign3A_5 : i32
    %sign3A_7 = arith.constant 0 : i32
    %sign3A_8 = arith.cmpi sgt, %jit3A, %sign3A_7 : i32
    %sign3A_9 = arith.extui %sign3A_8 : i1 to i32
    %sign3A_10 = arith.constant 0 : i32
    %sign3A_11 = arith.cmpi slt, %jit3A, %sign3A_10 : i32
    %sign3A_12 = arith.extui %sign3A_11 : i1 to i32
    %sign3A_13 = arith.subi %sign3A_9, %sign3A_12 : i32
    %ne3A = arith.cmpi ne, %sign3A_6, %sign3A_13 : i32
    %rem3A = arith.remsi %add3A, %jit3A : i32
    %ne3A_14 = arith.constant 0 : i32
    %ne3A_15 = arith.cmpi ne, %rem3A, %ne3A_14 : i32
    %and3A = arith.andi %ne3A, %ne3A_15 : i1
    %sub3A = arith.constant 1 : i32
    %sub3A_16 = arith.subi %div3A, %sub3A : i32
    %select_n3A = arith.select %and3A, %sub3A_16, %div3A : i32
    %jit3A_17 = arith.constant 8 : i32
    %eq3A = arith.constant 0 : i32
    %eq3A_18 = arith.cmpi eq, %jit3A_17, %eq3A : i32
    %jit3A_19 = arith.constant 1 : i32
    %select_n3A_20 = arith.select %eq3A_18, %jit3A_19, %jit3A_17 : i32
    %rem3A_21 = arith.remsi %add3A, %select_n3A_20 : i32
    %ne3A_22 = arith.constant 0 : i32
    %ne3A_23 = arith.cmpi ne, %rem3A_21, %ne3A_22 : i32
    %lt3A = arith.constant 0 : i32
    %lt3A_24 = arith.cmpi slt, %rem3A_21, %lt3A : i32
    %lt3A_25 = arith.constant 0 : i32
    %lt3A_26 = arith.cmpi slt, %select_n3A_20, %lt3A_25 : i32
    %ne3A_27 = arith.xori %lt3A_24, %lt3A_26 : i1
    %and3A_28 = arith.andi %ne3A_27, %ne3A_23 : i1
    %add3A_29 = arith.addi %rem3A_21, %select_n3A_20 : i32
    %select_n3A_30 = arith.select %and3A_28, %add3A_29, %rem3A_21 : i32
    %mul3A_31 = arith.constant 1024 : i32
    %mul3A_32 = arith.muli %select_n3A_30, %mul3A_31 : i32
    %iota3A = tpu.iota {dimensions = array<i32: 0>} : vector<16xi32>
    %scan3A = arith.constant 0 : i32
    %scan3A_33 = arith.constant 0 : i32
    %scan3A_34 = arith.constant 16 : i32
    %scan3A_35 = arith.addi %scan3A_33, %scan3A_34 : i32
    %scan3A_36 = arith.constant 1 : i32
    scf.for %scan3A_38 = %scan3A_33 to %scan3A_35 step %scan3A_36  : i32 {
      %mul3A_39 = arith.constant 64 : i32
      %mul3A_40 = arith.muli %scan3A_38, %mul3A_39 : i32
      %add3A_41 = arith.addi %mul3A_32, %mul3A_40 : i32
      "tpu.region"() ({
        %run_scoped3A = tpu.sem_alloc : memref<!tpu.dma_semaphore, #tpu.memory_space<semaphore_mem>>
        %dma_start3A_60 = tpu.memref_slice %arg3[%select_n3A, %add3A_41] : memref<4x8192xi32, #tpu.memory_space<hbm>> -> memref<1x64xi32, #tpu.memory_space<hbm>>
        %dma_start3A_61 = tpu.memref_squeeze %dma_start3A_60 : memref<1x64xi32, #tpu.memory_space<hbm>> -> memref<64xi32, #tpu.memory_space<hbm>>
        %dma_start3A_62 = tpu.memref_slice %arg3[%select_n3A, %add3A_41] : memref<4x8192xi32, #tpu.memory_space<hbm>> -> memref<1x64xi32, #tpu.memory_space<hbm>>
        %dma_start3A_63 = tpu.memref_squeeze %dma_start3A_62 : memref<1x64xi32, #tpu.memory_space<hbm>> -> memref<64xi32, #tpu.memory_space<hbm>>
        tpu.enqueue_dma source(%dma_start3A_63 : memref<64xi32, #tpu.memory_space<hbm>>) target(%arg6 : memref<64xi32, #tpu.memory_space<vmem>>) target_semaphore(%run_scoped3A : memref<!tpu.dma_semaphore, #tpu.memory_space<semaphore_mem>>)
        %dma_wait3A_64 = tpu.memref_slice %arg3[%select_n3A, %add3A_41] : memref<4x8192xi32, #tpu.memory_space<hbm>> -> memref<1x64xi32, #tpu.memory_space<hbm>>
        %dma_wait3A_65 = tpu.memref_squeeze %dma_wait3A_64 : memref<1x64xi32, #tpu.memory_space<hbm>> -> memref<64xi32, #tpu.memory_space<hbm>>
        %dma_wait3A_66 = tpu.memref_slice %arg3[%select_n3A, %add3A_41] : memref<4x8192xi32, #tpu.memory_space<hbm>> -> memref<1x64xi32, #tpu.memory_space<hbm>>
        %dma_wait3A_67 = tpu.memref_squeeze %dma_wait3A_66 : memref<1x64xi32, #tpu.memory_space<hbm>> -> memref<64xi32, #tpu.memory_space<hbm>>
        tpu.wait_dma2 semaphore(%run_scoped3A : memref<!tpu.dma_semaphore, #tpu.memory_space<semaphore_mem>>) src(%dma_wait3A_67 : memref<64xi32, #tpu.memory_space<hbm>>) dst(%arg6 : memref<64xi32, #tpu.memory_space<vmem>>)
        tpu.yield
      }) : () -> ()
      "tpu.region"() ({
        %run_scoped3A = tpu.sem_alloc : memref<!tpu.dma_semaphore, #tpu.memory_space<semaphore_mem>>
        %dma_start3A_60 = arith.constant 0 : i32
        %dma_start3A_61 = tpu.memref_slice %arg7[%dma_start3A_60] : memref<80xf32, #tpu.memory_space<vmem>> -> memref<64xf32, #tpu.memory_space<vmem>>
        %dma_start3A_62 = tpu.memref_slice %arg4[%select_n3A, %add3A_41] : memref<4x8192xf32, #tpu.memory_space<hbm>> -> memref<1x64xf32, #tpu.memory_space<hbm>>
        %dma_start3A_63 = tpu.memref_squeeze %dma_start3A_62 : memref<1x64xf32, #tpu.memory_space<hbm>> -> memref<64xf32, #tpu.memory_space<hbm>>
        %dma_start3A_64 = arith.constant 0 : i32
        %dma_start3A_65 = tpu.memref_slice %arg7[%dma_start3A_64] : memref<80xf32, #tpu.memory_space<vmem>> -> memref<64xf32, #tpu.memory_space<vmem>>
        %dma_start3A_66 = tpu.memref_slice %arg4[%select_n3A, %add3A_41] : memref<4x8192xf32, #tpu.memory_space<hbm>> -> memref<1x64xf32, #tpu.memory_space<hbm>>
        %dma_start3A_67 = tpu.memref_squeeze %dma_start3A_66 : memref<1x64xf32, #tpu.memory_space<hbm>> -> memref<64xf32, #tpu.memory_space<hbm>>
        tpu.enqueue_dma source(%dma_start3A_67 : memref<64xf32, #tpu.memory_space<hbm>>) target(%dma_start3A_65 : memref<64xf32, #tpu.memory_space<vmem>>) target_semaphore(%run_scoped3A : memref<!tpu.dma_semaphore, #tpu.memory_space<semaphore_mem>>)
        %dma_wait3A_68 = arith.constant 0 : i32
        %dma_wait3A_69 = tpu.memref_slice %arg7[%dma_wait3A_68] : memref<80xf32, #tpu.memory_space<vmem>> -> memref<64xf32, #tpu.memory_space<vmem>>
        %dma_wait3A_70 = tpu.memref_slice %arg4[%select_n3A, %add3A_41] : memref<4x8192xf32, #tpu.memory_space<hbm>> -> memref<1x64xf32, #tpu.memory_space<hbm>>
        %dma_wait3A_71 = tpu.memref_squeeze %dma_wait3A_70 : memref<1x64xf32, #tpu.memory_space<hbm>> -> memref<64xf32, #tpu.memory_space<hbm>>
        %dma_wait3A_72 = arith.constant 0 : i32
        %dma_wait3A_73 = tpu.memref_slice %arg7[%dma_wait3A_72] : memref<80xf32, #tpu.memory_space<vmem>> -> memref<64xf32, #tpu.memory_space<vmem>>
        %dma_wait3A_74 = tpu.memref_slice %arg4[%select_n3A, %add3A_41] : memref<4x8192xf32, #tpu.memory_space<hbm>> -> memref<1x64xf32, #tpu.memory_space<hbm>>
        %dma_wait3A_75 = tpu.memref_squeeze %dma_wait3A_74 : memref<1x64xf32, #tpu.memory_space<hbm>> -> memref<64xf32, #tpu.memory_space<hbm>>
        tpu.wait_dma2 semaphore(%run_scoped3A : memref<!tpu.dma_semaphore, #tpu.memory_space<semaphore_mem>>) src(%dma_wait3A_75 : memref<64xf32, #tpu.memory_space<hbm>>) dst(%dma_wait3A_73 : memref<64xf32, #tpu.memory_space<vmem>>)
        tpu.yield
      }) : () -> ()
      %dma_start3A = arith.constant 0 : i32
      %dma_start3A_42 = arith.constant 0 : i32
      %dma_start3A_43 = tpu.memref_slice %arg2[%select_n3A, %dma_start3A, %dma_start3A_42] : memref<4x8192x768xf32, #tpu.memory_space<hbm>> -> memref<1x8192x768xf32, #tpu.memory_space<hbm>>
      %dma_start3A_44 = tpu.memref_squeeze %dma_start3A_43 : memref<1x8192x768xf32, #tpu.memory_space<hbm>> -> memref<8192x768xf32, #tpu.memory_space<hbm>>
      %dma_start3A_45 = arith.constant 0 : i32
      %dma_start3A_46 = arith.constant 0 : i32
      %dma_start3A_47 = tpu.memref_slice %dma_start3A_44[%dma_start3A_45, %dma_start3A_46] : memref<8192x768xf32, #tpu.memory_space<hbm>> -> memref<8192x768xf32, #tpu.memory_space<hbm>>
      tpu.enqueue_indirect_dma source(%dma_start3A_47 : memref<8192x768xf32, #tpu.memory_space<hbm>>) target(%arg8 : memref<64x768xf32, #tpu.memory_space<vmem>>) offsets(%arg6 : memref<64xi32, #tpu.memory_space<vmem>>) semaphore(%arg9 : memref<!tpu.dma_semaphore, #tpu.memory_space<semaphore_mem>>)
      %dma_wait3A = arith.constant 0 : i32
      %dma_wait3A_48 = arith.constant 0 : i32
      %dma_wait3A_49 = tpu.memref_slice %arg2[%select_n3A, %dma_wait3A, %dma_wait3A_48] : memref<4x8192x768xf32, #tpu.memory_space<hbm>> -> memref<1x8192x768xf32, #tpu.memory_space<hbm>>
      %dma_wait3A_50 = tpu.memref_squeeze %dma_wait3A_49 : memref<1x8192x768xf32, #tpu.memory_space<hbm>> -> memref<8192x768xf32, #tpu.memory_space<hbm>>
      %dma_wait3A_51 = arith.constant 0 : i32
      %dma_wait3A_52 = arith.constant 0 : i32
      %dma_wait3A_53 = tpu.memref_slice %dma_wait3A_50[%dma_wait3A_51, %dma_wait3A_52] : memref<8192x768xf32, #tpu.memory_space<hbm>> -> memref<8192x768xf32, #tpu.memory_space<hbm>>
      tpu.wait_indirect_dma semaphore(%arg9 : memref<!tpu.dma_semaphore, #tpu.memory_space<semaphore_mem>>) src(%dma_wait3A_53 : memref<8192x768xf32, #tpu.memory_space<hbm>>) dst(%arg8 : memref<64x768xf32, #tpu.memory_space<vmem>>)
      %scan3A_54 = arith.constant 0 : i32
      %scan3A_55 = arith.constant 0 : i32
      %scan3A_56 = arith.constant 64 : i32
      %scan3A_57 = arith.addi %scan3A_55, %scan3A_56 : i32
      %scan3A_58 = arith.constant 1 : i32
      scf.for %scan3A_60 = %scan3A_55 to %scan3A_57 step %scan3A_58  : i32 {
        %get3A = arith.index_cast %scan3A_60 : i32 to index
        %get3A_61 = tpu.vector_load %arg7[%get3A] {strides = array<i32>} : memref<80xf32, #tpu.memory_space<vmem>>, vector<16xf32>,
        %get3A_62 = vector.shape_cast %get3A_61 : vector<16xf32> to vector<16xf32>
        %mul3A_63 = arith.constant 0 : i32
        %mul3A_64 = vector.broadcast %mul3A_63 : i32 to vector<16xi32>
        %mul3A_65 = arith.muli %iota3A, %mul3A_64 : vector<16xi32>
        %broadcast_in_dim3A = vector.shape_cast %mul3A_65 : vector<16xi32> to vector<16x1xi32>
        %gather3A = vector.shape_cast %broadcast_in_dim3A : vector<16x1xi32> to vector<16xi32>
        %gather3A_66 = tpu.dynamic_gather %get3A_62[%gather3A] in [0] : vector<16xf32>, vector<16xi32> -> vector<16xf32>
        %get3A_67 = arith.index_cast %scan3A_60 : i32 to index
        %get3A_68 = arith.constant 0 : index
        %get3A_69 = tpu.vector_load %arg8[%get3A_67, %get3A_68] {strides = array<i32>} : memref<64x768xf32, #tpu.memory_space<vmem>>, vector<1x16xf32>,
        %get3A_70 = vector.shape_cast %get3A_69 : vector<1x16xf32> to vector<16xf32>
        %mul3A_71 = arith.mulf %get3A_70, %gather3A_66 : vector<16xf32>
        %swap3A = arith.index_cast %scan3A_60 : i32 to index
        %swap3A_72 = arith.constant 0 : index
        %swap3A_73 = tpu.vector_load %arg8[%swap3A, %swap3A_72] {strides = array<i32>} : memref<64x768xf32, #tpu.memory_space<vmem>>, vector<1x16xf32>,
        %swap3A_74 = vector.shape_cast %swap3A_73 : vector<1x16xf32> to vector<16xf32>
        %swap3A_75 = vector.shape_cast %mul3A_71 : vector<16xf32> to vector<1x16xf32>
        tpu.vector_store %arg8[%swap3A, %swap3A_72], %swap3A_75 {strides = array<i32>} : memref<64x768xf32, #tpu.memory_space<vmem>>, vector<1x16xf32>,
        %get3A_76 = arith.index_cast %scan3A_60 : i32 to index
        %get3A_77 = arith.constant 16 : index
        %get3A_78 = tpu.vector_load %arg8[%get3A_76, %get3A_77] {strides = array<i32>} : memref<64x768xf32, #tpu.memory_space<vmem>>, vector<1x16xf32>,
        %get3A_79 = vector.shape_cast %get3A_78 : vector<1x16xf32> to vector<16xf32>
        %mul3A_80 = arith.mulf %get3A_79, %gather3A_66 : vector<16xf32>
        %swap3A_81 = arith.index_cast %scan3A_60 : i32 to index
        %swap3A_82 = arith.constant 16 : index
        %swap3A_83 = tpu.vector_load %arg8[%swap3A_81, %swap3A_82] {strides = array<i32>} : memref<64x768xf32, #tpu.memory_space<vmem>>, vector<1x16xf32>,
        %swap3A_84 = vector.shape_cast %swap3A_83 : vector<1x16xf32> to vector<16xf32>
        %swap3A_85 = vector.shape_cast %mul3A_80 : vector<16xf32> to vector<1x16xf32>
        tpu.vector_store %arg8[%swap3A_81, %swap3A_82], %swap3A_85 {strides = array<i32>} : memref<64x768xf32, #tpu.memory_space<vmem>>, vector<1x16xf32>,
        %get3A_86 = arith.index_cast %scan3A_60 : i32 to index
        %get3A_87 = arith.constant 32 : index
        %get3A_88 = tpu.vector_load %arg8[%get3A_86, %get3A_87] {strides = array<i32>} : memref<64x768xf32, #tpu.memory_space<vmem>>, vector<1x16xf32>,
        %get3A_89 = vector.shape_cast %get3A_88 : vector<1x16xf32> to vector<16xf32>
        %mul3A_90 = arith.mulf %get3A_89, %gather3A_66 : vector<16xf32>
        %swap3A_91 = arith.index_cast %scan3A_60 : i32 to index
        %swap3A_92 = arith.constant 32 : index
        %swap3A_93 = tpu.vector_load %arg8[%swap3A_91, %swap3A_92] {strides = array<i32>} : memref<64x768xf32, #tpu.memory_space<vmem>>, vector<1x16xf32>,
        %swap3A_94 = vector.shape_cast %swap3A_93 : vector<1x16xf32> to vector<16xf32>
        %swap3A_95 = vector.shape_cast %mul3A_90 : vector<16xf32> to vector<1x16xf32>
        tpu.vector_store %arg8[%swap3A_91, %swap3A_92], %swap3A_95 {strides = array<i32>} : memref<64x768xf32, #tpu.memory_space<vmem>>, vector<1x16xf32>,
        %get3A_96 = arith.index_cast %scan3A_60 : i32 to index
        %get3A_97 = arith.constant 48 : index
        %get3A_98 = tpu.vector_load %arg8[%get3A_96, %get3A_97] {strides = array<i32>} : memref<64x768xf32, #tpu.memory_space<vmem>>, vector<1x16xf32>,
        %get3A_99 = vector.shape_cast %get3A_98 : vector<1x16xf32> to vector<16xf32>
        %mul3A_100 = arith.mulf %get3A_99, %gather3A_66 : vector<16xf32>
        %swap3A_101 = arith.index_cast %scan3A_60 : i32 to index
        %swap3A_102 = arith.constant 48 : index
        %swap3A_103 = tpu.vector_load %arg8[%swap3A_101, %swap3A_102] {strides = array<i32>} : memref<64x768xf32, #tpu.memory_space<vmem>>, vector<1x16xf32>,
        %swap3A_104 = vector.shape_cast %swap3A_103 : vector<1x16xf32> to vector<16xf32>
        %swap3A_105 = vector.shape_cast %mul3A_100 : vector<16xf32> to vector<1x16xf32>
        tpu.vector_store %arg8[%swap3A_101, %swap3A_102], %swap3A_105 {strides = array<i32>} : memref<64x768xf32, #tpu.memory_space<vmem>>, vector<1x16xf32>,
        %get3A_106 = arith.index_cast %scan3A_60 : i32 to index
        %get3A_107 = arith.constant 64 : index
        %get3A_108 = tpu.vector_load %arg8[%get3A_106, %get3A_107] {strides = array<i32>} : memref<64x768xf32, #tpu.memory_space<vmem>>, vector<1x16xf32>,
        %get3A_109 = vector.shape_cast %get3A_108 : vector<1x16xf32> to vector<16xf32>
        %mul3A_110 = arith.mulf %get3A_109, %gather3A_66 : vector<16xf32>
        %swap3A_111 = arith.index_cast %scan3A_60 : i32 to index
        %swap3A_112 = arith.constant 64 : index
        %swap3A_113 = tpu.vector_load %arg8[%swap3A_111, %swap3A_112] {strides = array<i32>} : memref<64x768xf32, #tpu.memory_space<vmem>>, vector<1x16xf32>,
        %swap3A_114 = vector.shape_cast %swap3A_113 : vector<1x16xf32> to vector<16xf32>
        %swap3A_115 = vector.shape_cast %mul3A_110 : vector<16xf32> to vector<1x16xf32>
        tpu.vector_store %arg8[%swap3A_111, %swap3A_112], %swap3A_115 {strides = array<i32>} : memref<64x768xf32, #tpu.memory_space<vmem>>, vector<1x16xf32>,
        %get3A_116 = arith.index_cast %scan3A_60 : i32 to index
        %get3A_117 = arith.constant 80 : index
        %get3A_118 = tpu.vector_load %arg8[%get3A_116, %get3A_117] {strides = array<i32>} : memref<64x768xf32, #tpu.memory_space<vmem>>, vector<1x16xf32>,
        %get3A_119 = vector.shape_cast %get3A_118 : vector<1x16xf32> to vector<16xf32>
        %mul3A_120 = arith.mulf %get3A_119, %gather3A_66 : vector<16xf32>
        %swap3A_121 = arith.index_cast %scan3A_60 : i32 to index
        %swap3A_122 = arith.constant 80 : index
        %swap3A_123 = tpu.vector_load %arg8[%swap3A_121, %swap3A_122] {strides = array<i32>} : memref<64x768xf32, #tpu.memory_space<vmem>>, vector<1x16xf32>,
        %swap3A_124 = vector.shape_cast %swap3A_123 : vector<1x16xf32> to vector<16xf32>
        %swap3A_125 = vector.shape_cast %mul3A_120 : vector<16xf32> to vector<1x16xf32>
        tpu.vector_store %arg8[%swap3A_121, %swap3A_122], %swap3A_125 {strides = array<i32>} : memref<64x768xf32, #tpu.memory_space<vmem>>, vector<1x16xf32>,
        %get3A_126 = arith.index_cast %scan3A_60 : i32 to index
        %get3A_127 = arith.constant 96 : index
        %get3A_128 = tpu.vector_load %arg8[%get3A_126, %get3A_127] {strides = array<i32>} : memref<64x768xf32, #tpu.memory_space<vmem>>, vector<1x16xf32>,
        %get3A_129 = vector.shape_cast %get3A_128 : vector<1x16xf32> to vector<16xf32>
        %mul3A_130 = arith.mulf %get3A_129, %gather3A_66 : vector<16xf32>
        %swap3A_131 = arith.index_cast %scan3A_60 : i32 to index
        %swap3A_132 = arith.constant 96 : index
        %swap3A_133 = tpu.vector_load %arg8[%swap3A_131, %swap3A_132] {strides = array<i32>} : memref<64x768xf32, #tpu.memory_space<vmem>>, vector<1x16xf32>,
        %swap3A_134 = vector.shape_cast %swap3A_133 : vector<1x16xf32> to vector<16xf32>
        %swap3A_135 = vector.shape_cast %mul3A_130 : vector<16xf32> to vector<1x16xf32>
        tpu.vector_store %arg8[%swap3A_131, %swap3A_132], %swap3A_135 {strides = array<i32>} : memref<64x768xf32, #tpu.memory_space<vmem>>, vector<1x16xf32>,
        %get3A_136 = arith.index_cast %scan3A_60 : i32 to index
        %get3A_137 = arith.constant 112 : index
        %get3A_138 = tpu.vector_load %arg8[%get3A_136, %get3A_137] {strides = array<i32>} : memref<64x768xf32, #tpu.memory_space<vmem>>, vector<1x16xf32>,
        %get3A_139 = vector.shape_cast %get3A_138 : vector<1x16xf32> to vector<16xf32>
        %mul3A_140 = arith.mulf %get3A_139, %gather3A_66 : vector<16xf32>
        %swap3A_141 = arith.index_cast %scan3A_60 : i32 to index
        %swap3A_142 = arith.constant 112 : index
        %swap3A_143 = tpu.vector_load %arg8[%swap3A_141, %swap3A_142] {strides = array<i32>} : memref<64x768xf32, #tpu.memory_space<vmem>>, vector<1x16xf32>,
        %swap3A_144 = vector.shape_cast %swap3A_143 : vector<1x16xf32> to vector<16xf32>
        %swap3A_145 = vector.shape_cast %mul3A_140 : vector<16xf32> to vector<1x16xf32>
        tpu.vector_store %arg8[%swap3A_141, %swap3A_142], %swap3A_145 {strides = array<i32>} : memref<64x768xf32, #tpu.memory_space<vmem>>, vector<1x16xf32>,
        %get3A_146 = arith.index_cast %scan3A_60 : i32 to index
        %get3A_147 = arith.constant 128 : index
        %get3A_148 = tpu.vector_load %arg8[%get3A_146, %get3A_147] {strides = array<i32>} : memref<64x768xf32, #tpu.memory_space<vmem>>, vector<1x16xf32>,
        %get3A_149 = vector.shape_cast %get3A_148 : vector<1x16xf32> to vector<16xf32>
        %mul3A_150 = arith.mulf %get3A_149, %gather3A_66 : vector<16xf32>
        %swap3A_151 = arith.index_cast %scan3A_60 : i32 to index
        %swap3A_152 = arith.constant 128 : index
        %swap3A_153 = tpu.vector_load %arg8[%swap3A_151, %swap3A_152] {strides = array<i32>} : memref<64x768xf32, #tpu.memory_space<vmem>>, vector<1x16xf32>,
        %swap3A_154 = vector.shape_cast %swap3A_153 : vector<1x16xf32> to vector<16xf32>
        %swap3A_155 = vector.shape_cast %mul3A_150 : vector<16xf32> to vector<1x16xf32>
        tpu.vector_store %arg8[%swap3A_151, %swap3A_152], %swap3A_155 {strides = array<i32>} : memref<64x768xf32, #tpu.memory_space<vmem>>, vector<1x16xf32>,
        %get3A_156 = arith.index_cast %scan3A_60 : i32 to index
        %get3A_157 = arith.constant 144 : index
        %get3A_158 = tpu.vector_load %arg8[%get3A_156, %get3A_157] {strides = array<i32>} : memref<64x768xf32, #tpu.memory_space<vmem>>, vector<1x16xf32>,
        %get3A_159 = vector.shape_cast %get3A_158 : vector<1x16xf32> to vector<16xf32>
        %mul3A_160 = arith.mulf %get3A_159, %gather3A_66 : vector<16xf32>
        %swap3A_161 = arith.index_cast %scan3A_60 : i32 to index
        %swap3A_162 = arith.constant 144 : index
        %swap3A_163 = tpu.vector_load %arg8[%swap3A_161, %swap3A_162] {strides = array<i32>} : memref<64x768xf32, #tpu.memory_space<vmem>>, vector<1x16xf32>,
        %swap3A_164 = vector.shape_cast %swap3A_163 : vector<1x16xf32> to vector<16xf32>
        %swap3A_165 = vector.shape_cast %mul3A_160 : vector<16xf32> to vector<1x16xf32>
        tpu.vector_store %arg8[%swap3A_161, %swap3A_162], %swap3A_165 {strides = array<i32>} : memref<64x768xf32, #tpu.memory_space<vmem>>, vector<1x16xf32>,
        %get3A_166 = arith.index_cast %scan3A_60 : i32 to index
        %get3A_167 = arith.constant 160 : index
        %get3A_168 = tpu.vector_load %arg8[%get3A_166, %get3A_167] {strides = array<i32>} : memref<64x768xf32, #tpu.memory_space<vmem>>, vector<1x16xf32>,
        %get3A_169 = vector.shape_cast %get3A_168 : vector<1x16xf32> to vector<16xf32>
        %mul3A_170 = arith.mulf %get3A_169, %gather3A_66 : vector<16xf32>
        %swap3A_171 = arith.index_cast %scan3A_60 : i32 to index
        %swap3A_172 = arith.constant 160 : index
        %swap3A_173 = tpu.vector_load %arg8[%swap3A_171, %swap3A_172] {strides = array<i32>} : memref<64x768xf32, #tpu.memory_space<vmem>>, vector<1x16xf32>,
        %swap3A_174 = vector.shape_cast %swap3A_173 : vector<1x16xf32> to vector<16xf32>
        %swap3A_175 = vector.shape_cast %mul3A_170 : vector<16xf32> to vector<1x16xf32>
        tpu.vector_store %arg8[%swap3A_171, %swap3A_172], %swap3A_175 {strides = array<i32>} : memref<64x768xf32, #tpu.memory_space<vmem>>, vector<1x16xf32>,
        %get3A_176 = arith.index_cast %scan3A_60 : i32 to index
        %get3A_177 = arith.constant 176 : index
        %get3A_178 = tpu.vector_load %arg8[%get3A_176, %get3A_177] {strides = array<i32>} : memref<64x768xf32, #tpu.memory_space<vmem>>, vector<1x16xf32>,
        %get3A_179 = vector.shape_cast %get3A_178 : vector<1x16xf32> to vector<16xf32>
        %mul3A_180 = arith.mulf %get3A_179, %gather3A_66 : vector<16xf32>
        %swap3A_181 = arith.index_cast %scan3A_60 : i32 to index
        %swap3A_182 = arith.constant 176 : index
        %swap3A_183 = tpu.vector_load %arg8[%swap3A_181, %swap3A_182] {strides = array<i32>} : memref<64x768xf32, #tpu.memory_space<vmem>>, vector<1x16xf32>,
        %swap3A_184 = vector.shape_cast %swap3A_183 : vector<1x16xf32> to vector<16xf32>
        %swap3A_185 = vector.shape_cast %mul3A_180 : vector<16xf32> to vector<1x16xf32>
        tpu.vector_store %arg8[%swap3A_181, %swap3A_182], %swap3A_185 {strides = array<i32>} : memref<64x768xf32, #tpu.memory_space<vmem>>, vector<1x16xf32>,
        %get3A_186 = arith.index_cast %scan3A_60 : i32 to index
        %get3A_187 = arith.constant 192 : index
        %get3A_188 = tpu.vector_load %arg8[%get3A_186, %get3A_187] {strides = array<i32>} : memref<64x768xf32, #tpu.memory_space<vmem>>, vector<1x16xf32>,
        %get3A_189 = vector.shape_cast %get3A_188 : vector<1x16xf32> to vector<16xf32>
        %mul3A_190 = arith.mulf %get3A_189, %gather3A_66 : vector<16xf32>
        %swap3A_191 = arith.index_cast %scan3A_60 : i32 to index
        %swap3A_192 = arith.constant 192 : index
        %swap3A_193 = tpu.vector_load %arg8[%swap3A_191, %swap3A_192] {strides = array<i32>} : memref<64x768xf32, #tpu.memory_space<vmem>>, vector<1x16xf32>,
        %swap3A_194 = vector.shape_cast %swap3A_193 : vector<1x16xf32> to vector<16xf32>
        %swap3A_195 = vector.shape_cast %mul3A_190 : vector<16xf32> to vector<1x16xf32>
        tpu.vector_store %arg8[%swap3A_191, %swap3A_192], %swap3A_195 {strides = array<i32>} : memref<64x768xf32, #tpu.memory_space<vmem>>, vector<1x16xf32>,
        %get3A_196 = arith.index_cast %scan3A_60 : i32 to index
        %get3A_197 = arith.constant 208 : index
        %get3A_198 = tpu.vector_load %arg8[%get3A_196, %get3A_197] {strides = array<i32>} : memref<64x768xf32, #tpu.memory_space<vmem>>, vector<1x16xf32>,
        %get3A_199 = vector.shape_cast %get3A_198 : vector<1x16xf32> to vector<16xf32>
        %mul3A_200 = arith.mulf %get3A_199, %gather3A_66 : vector<16xf32>
        %swap3A_201 = arith.index_cast %scan3A_60 : i32 to index
        %swap3A_202 = arith.constant 208 : index
        %swap3A_203 = tpu.vector_load %arg8[%swap3A_201, %swap3A_202] {strides = array<i32>} : memref<64x768xf32, #tpu.memory_space<vmem>>, vector<1x16xf32>,
        %swap3A_204 = vector.shape_cast %swap3A_203 : vector<1x16xf32> to vector<16xf32>
        %swap3A_205 = vector.shape_cast %mul3A_200 : vector<16xf32> to vector<1x16xf32>
        tpu.vector_store %arg8[%swap3A_201, %swap3A_202], %swap3A_205 {strides = array<i32>} : memref<64x768xf32, #tpu.memory_space<vmem>>, vector<1x16xf32>,
        %get3A_206 = arith.index_cast %scan3A_60 : i32 to index
        %get3A_207 = arith.constant 224 : index
        %get3A_208 = tpu.vector_load %arg8[%get3A_206, %get3A_207] {strides = array<i32>} : memref<64x768xf32, #tpu.memory_space<vmem>>, vector<1x16xf32>,
        %get3A_209 = vector.shape_cast %get3A_208 : vector<1x16xf32> to vector<16xf32>
        %mul3A_210 = arith.mulf %get3A_209, %gather3A_66 : vector<16xf32>
        %swap3A_211 = arith.index_cast %scan3A_60 : i32 to index
        %swap3A_212 = arith.constant 224 : index
        %swap3A_213 = tpu.vector_load %arg8[%swap3A_211, %swap3A_212] {strides = array<i32>} : memref<64x768xf32, #tpu.memory_space<vmem>>, vector<1x16xf32>,
        %swap3A_214 = vector.shape_cast %swap3A_213 : vector<1x16xf32> to vector<16xf32>
        %swap3A_215 = vector.shape_cast %mul3A_210 : vector<16xf32> to vector<1x16xf32>
        tpu.vector_store %arg8[%swap3A_211, %swap3A_212], %swap3A_215 {strides = array<i32>} : memref<64x768xf32, #tpu.memory_space<vmem>>, vector<1x16xf32>,
        %get3A_216 = arith.index_cast %scan3A_60 : i32 to index
        %get3A_217 = arith.constant 240 : index
        %get3A_218 = tpu.vector_load %arg8[%get3A_216, %get3A_217] {strides = array<i32>} : memref<64x768xf32, #tpu.memory_space<vmem>>, vector<1x16xf32>,
        %get3A_219 = vector.shape_cast %get3A_218 : vector<1x16xf32> to vector<16xf32>
        %mul3A_220 = arith.mulf %get3A_219, %gather3A_66 : vector<16xf32>
        %swap3A_221 = arith.index_cast %scan3A_60 : i32 to index
        %swap3A_222 = arith.constant 240 : index
        %swap3A_223 = tpu.vector_load %arg8[%swap3A_221, %swap3A_222] {strides = array<i32>} : memref<64x768xf32, #tpu.memory_space<vmem>>, vector<1x16xf32>,
        %swap3A_224 = vector.shape_cast %swap3A_223 : vector<1x16xf32> to vector<16xf32>
        %swap3A_225 = vector.shape_cast %mul3A_220 : vector<16xf32> to vector<1x16xf32>
        tpu.vector_store %arg8[%swap3A_221, %swap3A_222], %swap3A_225 {strides = array<i32>} : memref<64x768xf32, #tpu.memory_space<vmem>>, vector<1x16xf32>,
        %get3A_226 = arith.index_cast %scan3A_60 : i32 to index
        %get3A_227 = arith.constant 256 : index
        %get3A_228 = tpu.vector_load %arg8[%get3A_226, %get3A_227] {strides = array<i32>} : memref<64x768xf32, #tpu.memory_space<vmem>>, vector<1x16xf32>,
        %get3A_229 = vector.shape_cast %get3A_228 : vector<1x16xf32> to vector<16xf32>
        %mul3A_230 = arith.mulf %get3A_229, %gather3A_66 : vector<16xf32>
        %swap3A_231 = arith.index_cast %scan3A_60 : i32 to index
        %swap3A_232 = arith.constant 256 : index
        %swap3A_233 = tpu.vector_load %arg8[%swap3A_231, %swap3A_232] {strides = array<i32>} : memref<64x768xf32, #tpu.memory_space<vmem>>, vector<1x16xf32>,
        %swap3A_234 = vector.shape_cast %swap3A_233 : vector<1x16xf32> to vector<16xf32>
        %swap3A_235 = vector.shape_cast %mul3A_230 : vector<16xf32> to vector<1x16xf32>
        tpu.vector_store %arg8[%swap3A_231, %swap3A_232], %swap3A_235 {strides = array<i32>} : memref<64x768xf32, #tpu.memory_space<vmem>>, vector<1x16xf32>,
        %get3A_236 = arith.index_cast %scan3A_60 : i32 to index
        %get3A_237 = arith.constant 272 : index
        %get3A_238 = tpu.vector_load %arg8[%get3A_236, %get3A_237] {strides = array<i32>} : memref<64x768xf32, #tpu.memory_space<vmem>>, vector<1x16xf32>,
        %get3A_239 = vector.shape_cast %get3A_238 : vector<1x16xf32> to vector<16xf32>
        %mul3A_240 = arith.mulf %get3A_239, %gather3A_66 : vector<16xf32>
        %swap3A_241 = arith.index_cast %scan3A_60 : i32 to index
        %swap3A_242 = arith.constant 272 : index
        %swap3A_243 = tpu.vector_load %arg8[%swap3A_241, %swap3A_242] {strides = array<i32>} : memref<64x768xf32, #tpu.memory_space<vmem>>, vector<1x16xf32>,
        %swap3A_244 = vector.shape_cast %swap3A_243 : vector<1x16xf32> to vector<16xf32>
        %swap3A_245 = vector.shape_cast %mul3A_240 : vector<16xf32> to vector<1x16xf32>
        tpu.vector_store %arg8[%swap3A_241, %swap3A_242], %swap3A_245 {strides = array<i32>} : memref<64x768xf32, #tpu.memory_space<vmem>>, vector<1x16xf32>,
        %get3A_246 = arith.index_cast %scan3A_60 : i32 to index
        %get3A_247 = arith.constant 288 : index
        %get3A_248 = tpu.vector_load %arg8[%get3A_246, %get3A_247] {strides = array<i32>} : memref<64x768xf32, #tpu.memory_space<vmem>>, vector<1x16xf32>,
        %get3A_249 = vector.shape_cast %get3A_248 : vector<1x16xf32> to vector<16xf32>
        %mul3A_250 = arith.mulf %get3A_249, %gather3A_66 : vector<16xf32>
        %swap3A_251 = arith.index_cast %scan3A_60 : i32 to index
        %swap3A_252 = arith.constant 288 : index
        %swap3A_253 = tpu.vector_load %arg8[%swap3A_251, %swap3A_252] {strides = array<i32>} : memref<64x768xf32, #tpu.memory_space<vmem>>, vector<1x16xf32>,
        %swap3A_254 = vector.shape_cast %swap3A_253 : vector<1x16xf32> to vector<16xf32>
        %swap3A_255 = vector.shape_cast %mul3A_250 : vector<16xf32> to vector<1x16xf32>
        tpu.vector_store %arg8[%swap3A_251, %swap3A_252], %swap3A_255 {strides = array<i32>} : memref<64x768xf32, #tpu.memory_space<vmem>>, vector<1x16xf32>,
        %get3A_256 = arith.index_cast %scan3A_60 : i32 to index
        %get3A_257 = arith.constant 304 : index
        %get3A_258 = tpu.vector_load %arg8[%get3A_256, %get3A_257] {strides = array<i32>} : memref<64x768xf32, #tpu.memory_space<vmem>>, vector<1x16xf32>,
        %get3A_259 = vector.shape_cast %get3A_258 : vector<1x16xf32> to vector<16xf32>
        %mul3A_260 = arith.mulf %get3A_259, %gather3A_66 : vector<16xf32>
        %swap3A_261 = arith.index_cast %scan3A_60 : i32 to index
        %swap3A_262 = arith.constant 304 : index
        %swap3A_263 = tpu.vector_load %arg8[%swap3A_261, %swap3A_262] {strides = array<i32>} : memref<64x768xf32, #tpu.memory_space<vmem>>, vector<1x16xf32>,
        %swap3A_264 = vector.shape_cast %swap3A_263 : vector<1x16xf32> to vector<16xf32>
        %swap3A_265 = vector.shape_cast %mul3A_260 : vector<16xf32> to vector<1x16xf32>
        tpu.vector_store %arg8[%swap3A_261, %swap3A_262], %swap3A_265 {strides = array<i32>} : memref<64x768xf32, #tpu.memory_space<vmem>>, vector<1x16xf32>,
        %get3A_266 = arith.index_cast %scan3A_60 : i32 to index
        %get3A_267 = arith.constant 320 : index
        %get3A_268 = tpu.vector_load %arg8[%get3A_266, %get3A_267] {strides = array<i32>} : memref<64x768xf32, #tpu.memory_space<vmem>>, vector<1x16xf32>,
        %get3A_269 = vector.shape_cast %get3A_268 : vector<1x16xf32> to vector<16xf32>
        %mul3A_270 = arith.mulf %get3A_269, %gather3A_66 : vector<16xf32>
        %swap3A_271 = arith.index_cast %scan3A_60 : i32 to index
        %swap3A_272 = arith.constant 320 : index
        %swap3A_273 = tpu.vector_load %arg8[%swap3A_271, %swap3A_272] {strides = array<i32>} : memref<64x768xf32, #tpu.memory_space<vmem>>, vector<1x16xf32>,
        %swap3A_274 = vector.shape_cast %swap3A_273 : vector<1x16xf32> to vector<16xf32>
        %swap3A_275 = vector.shape_cast %mul3A_270 : vector<16xf32> to vector<1x16xf32>
        tpu.vector_store %arg8[%swap3A_271, %swap3A_272], %swap3A_275 {strides = array<i32>} : memref<64x768xf32, #tpu.memory_space<vmem>>, vector<1x16xf32>,
        %get3A_276 = arith.index_cast %scan3A_60 : i32 to index
        %get3A_277 = arith.constant 336 : index
        %get3A_278 = tpu.vector_load %arg8[%get3A_276, %get3A_277] {strides = array<i32>} : memref<64x768xf32, #tpu.memory_space<vmem>>, vector<1x16xf32>,
        %get3A_279 = vector.shape_cast %get3A_278 : vector<1x16xf32> to vector<16xf32>
        %mul3A_280 = arith.mulf %get3A_279, %gather3A_66 : vector<16xf32>
        %swap3A_281 = arith.index_cast %scan3A_60 : i32 to index
        %swap3A_282 = arith.constant 336 : index
        %swap3A_283 = tpu.vector_load %arg8[%swap3A_281, %swap3A_282] {strides = array<i32>} : memref<64x768xf32, #tpu.memory_space<vmem>>, vector<1x16xf32>,
        %swap3A_284 = vector.shape_cast %swap3A_283 : vector<1x16xf32> to vector<16xf32>
        %swap3A_285 = vector.shape_cast %mul3A_280 : vector<16xf32> to vector<1x16xf32>
        tpu.vector_store %arg8[%swap3A_281, %swap3A_282], %swap3A_285 {strides = array<i32>} : memref<64x768xf32, #tpu.memory_space<vmem>>, vector<1x16xf32>,
        %get3A_286 = arith.index_cast %scan3A_60 : i32 to index
        %get3A_287 = arith.constant 352 : index
        %get3A_288 = tpu.vector_load %arg8[%get3A_286, %get3A_287] {strides = array<i32>} : memref<64x768xf32, #tpu.memory_space<vmem>>, vector<1x16xf32>,
        %get3A_289 = vector.shape_cast %get3A_288 : vector<1x16xf32> to vector<16xf32>
        %mul3A_290 = arith.mulf %get3A_289, %gather3A_66 : vector<16xf32>
        %swap3A_291 = arith.index_cast %scan3A_60 : i32 to index
        %swap3A_292 = arith.constant 352 : index
        %swap3A_293 = tpu.vector_load %arg8[%swap3A_291, %swap3A_292] {strides = array<i32>} : memref<64x768xf32, #tpu.memory_space<vmem>>, vector<1x16xf32>,
        %swap3A_294 = vector.shape_cast %swap3A_293 : vector<1x16xf32> to vector<16xf32>
        %swap3A_295 = vector.shape_cast %mul3A_290 : vector<16xf32> to vector<1x16xf32>
        tpu.vector_store %arg8[%swap3A_291, %swap3A_292], %swap3A_295 {strides = array<i32>} : memref<64x768xf32, #tpu.memory_space<vmem>>, vector<1x16xf32>,
        %get3A_296 = arith.index_cast %scan3A_60 : i32 to index
        %get3A_297 = arith.constant 368 : index
        %get3A_298 = tpu.vector_load %arg8[%get3A_296, %get3A_297] {strides = array<i32>} : memref<64x768xf32, #tpu.memory_space<vmem>>, vector<1x16xf32>,
        %get3A_299 = vector.shape_cast %get3A_298 : vector<1x16xf32> to vector<16xf32>
        %mul3A_300 = arith.mulf %get3A_299, %gather3A_66 : vector<16xf32>
        %swap3A_301 = arith.index_cast %scan3A_60 : i32 to index
        %swap3A_302 = arith.constant 368 : index
        %swap3A_303 = tpu.vector_load %arg8[%swap3A_301, %swap3A_302] {strides = array<i32>} : memref<64x768xf32, #tpu.memory_space<vmem>>, vector<1x16xf32>,
        %swap3A_304 = vector.shape_cast %swap3A_303 : vector<1x16xf32> to vector<16xf32>
        %swap3A_305 = vector.shape_cast %mul3A_300 : vector<16xf32> to vector<1x16xf32>
        tpu.vector_store %arg8[%swap3A_301, %swap3A_302], %swap3A_305 {strides = array<i32>} : memref<64x768xf32, #tpu.memory_space<vmem>>, vector<1x16xf32>,
        %get3A_306 = arith.index_cast %scan3A_60 : i32 to index
        %get3A_307 = arith.constant 384 : index
        %get3A_308 = tpu.vector_load %arg8[%get3A_306, %get3A_307] {strides = array<i32>} : memref<64x768xf32, #tpu.memory_space<vmem>>, vector<1x16xf32>,
        %get3A_309 = vector.shape_cast %get3A_308 : vector<1x16xf32> to vector<16xf32>
        %mul3A_310 = arith.mulf %get3A_309, %gather3A_66 : vector<16xf32>
        %swap3A_311 = arith.index_cast %scan3A_60 : i32 to index
        %swap3A_312 = arith.constant 384 : index
        %swap3A_313 = tpu.vector_load %arg8[%swap3A_311, %swap3A_312] {strides = array<i32>} : memref<64x768xf32, #tpu.memory_space<vmem>>, vector<1x16xf32>,
        %swap3A_314 = vector.shape_cast %swap3A_313 : vector<1x16xf32> to vector<16xf32>
        %swap3A_315 = vector.shape_cast %mul3A_310 : vector<16xf32> to vector<1x16xf32>
        tpu.vector_store %arg8[%swap3A_311, %swap3A_312], %swap3A_315 {strides = array<i32>} : memref<64x768xf32, #tpu.memory_space<vmem>>, vector<1x16xf32>,
        %get3A_316 = arith.index_cast %scan3A_60 : i32 to index
        %get3A_317 = arith.constant 400 : index
        %get3A_318 = tpu.vector_load %arg8[%get3A_316, %get3A_317] {strides = array<i32>} : memref<64x768xf32, #tpu.memory_space<vmem>>, vector<1x16xf32>,
        %get3A_319 = vector.shape_cast %get3A_318 : vector<1x16xf32> to vector<16xf32>
        %mul3A_320 = arith.mulf %get3A_319, %gather3A_66 : vector<16xf32>
        %swap3A_321 = arith.index_cast %scan3A_60 : i32 to index
        %swap3A_322 = arith.constant 400 : index
        %swap3A_323 = tpu.vector_load %arg8[%swap3A_321, %swap3A_322] {strides = array<i32>} : memref<64x768xf32, #tpu.memory_space<vmem>>, vector<1x16xf32>,
        %swap3A_324 = vector.shape_cast %swap3A_323 : vector<1x16xf32> to vector<16xf32>
        %swap3A_325 = vector.shape_cast %mul3A_320 : vector<16xf32> to vector<1x16xf32>
        tpu.vector_store %arg8[%swap3A_321, %swap3A_322], %swap3A_325 {strides = array<i32>} : memref<64x768xf32, #tpu.memory_space<vmem>>, vector<1x16xf32>,
        %get3A_326 = arith.index_cast %scan3A_60 : i32 to index
        %get3A_327 = arith.constant 416 : index
        %get3A_328 = tpu.vector_load %arg8[%get3A_326, %get3A_327] {strides = array<i32>} : memref<64x768xf32, #tpu.memory_space<vmem>>, vector<1x16xf32>,
        %get3A_329 = vector.shape_cast %get3A_328 : vector<1x16xf32> to vector<16xf32>
        %mul3A_330 = arith.mulf %get3A_329, %gather3A_66 : vector<16xf32>
        %swap3A_331 = arith.index_cast %scan3A_60 : i32 to index
        %swap3A_332 = arith.constant 416 : index
        %swap3A_333 = tpu.vector_load %arg8[%swap3A_331, %swap3A_332] {strides = array<i32>} : memref<64x768xf32, #tpu.memory_space<vmem>>, vector<1x16xf32>,
        %swap3A_334 = vector.shape_cast %swap3A_333 : vector<1x16xf32> to vector<16xf32>
        %swap3A_335 = vector.shape_cast %mul3A_330 : vector<16xf32> to vector<1x16xf32>
        tpu.vector_store %arg8[%swap3A_331, %swap3A_332], %swap3A_335 {strides = array<i32>} : memref<64x768xf32, #tpu.memory_space<vmem>>, vector<1x16xf32>,
        %get3A_336 = arith.index_cast %scan3A_60 : i32 to index
        %get3A_337 = arith.constant 432 : index
        %get3A_338 = tpu.vector_load %arg8[%get3A_336, %get3A_337] {strides = array<i32>} : memref<64x768xf32, #tpu.memory_space<vmem>>, vector<1x16xf32>,
        %get3A_339 = vector.shape_cast %get3A_338 : vector<1x16xf32> to vector<16xf32>
        %mul3A_340 = arith.mulf %get3A_339, %gather3A_66 : vector<16xf32>
        %swap3A_341 = arith.index_cast %scan3A_60 : i32 to index
        %swap3A_342 = arith.constant 432 : index
        %swap3A_343 = tpu.vector_load %arg8[%swap3A_341, %swap3A_342] {strides = array<i32>} : memref<64x768xf32, #tpu.memory_space<vmem>>, vector<1x16xf32>,
        %swap3A_344 = vector.shape_cast %swap3A_343 : vector<1x16xf32> to vector<16xf32>
        %swap3A_345 = vector.shape_cast %mul3A_340 : vector<16xf32> to vector<1x16xf32>
        tpu.vector_store %arg8[%swap3A_341, %swap3A_342], %swap3A_345 {strides = array<i32>} : memref<64x768xf32, #tpu.memory_space<vmem>>, vector<1x16xf32>,
        %get3A_346 = arith.index_cast %scan3A_60 : i32 to index
        %get3A_347 = arith.constant 448 : index
        %get3A_348 = tpu.vector_load %arg8[%get3A_346, %get3A_347] {strides = array<i32>} : memref<64x768xf32, #tpu.memory_space<vmem>>, vector<1x16xf32>,
        %get3A_349 = vector.shape_cast %get3A_348 : vector<1x16xf32> to vector<16xf32>
        %mul3A_350 = arith.mulf %get3A_349, %gather3A_66 : vector<16xf32>
        %swap3A_351 = arith.index_cast %scan3A_60 : i32 to index
        %swap3A_352 = arith.constant 448 : index
        %swap3A_353 = tpu.vector_load %arg8[%swap3A_351, %swap3A_352] {strides = array<i32>} : memref<64x768xf32, #tpu.memory_space<vmem>>, vector<1x16xf32>,
        %swap3A_354 = vector.shape_cast %swap3A_353 : vector<1x16xf32> to vector<16xf32>
        %swap3A_355 = vector.shape_cast %mul3A_350 : vector<16xf32> to vector<1x16xf32>
        tpu.vector_store %arg8[%swap3A_351, %swap3A_352], %swap3A_355 {strides = array<i32>} : memref<64x768xf32, #tpu.memory_space<vmem>>, vector<1x16xf32>,
        %get3A_356 = arith.index_cast %scan3A_60 : i32 to index
        %get3A_357 = arith.constant 464 : index
        %get3A_358 = tpu.vector_load %arg8[%get3A_356, %get3A_357] {strides = array<i32>} : memref<64x768xf32, #tpu.memory_space<vmem>>, vector<1x16xf32>,
        %get3A_359 = vector.shape_cast %get3A_358 : vector<1x16xf32> to vector<16xf32>
        %mul3A_360 = arith.mulf %get3A_359, %gather3A_66 : vector<16xf32>
        %swap3A_361 = arith.index_cast %scan3A_60 : i32 to index
        %swap3A_362 = arith.constant 464 : index
        %swap3A_363 = tpu.vector_load %arg8[%swap3A_361, %swap3A_362] {strides = array<i32>} : memref<64x768xf32, #tpu.memory_space<vmem>>, vector<1x16xf32>,
        %swap3A_364 = vector.shape_cast %swap3A_363 : vector<1x16xf32> to vector<16xf32>
        %swap3A_365 = vector.shape_cast %mul3A_360 : vector<16xf32> to vector<1x16xf32>
        tpu.vector_store %arg8[%swap3A_361, %swap3A_362], %swap3A_365 {strides = array<i32>} : memref<64x768xf32, #tpu.memory_space<vmem>>, vector<1x16xf32>,
        %get3A_366 = arith.index_cast %scan3A_60 : i32 to index
        %get3A_367 = arith.constant 480 : index
        %get3A_368 = tpu.vector_load %arg8[%get3A_366, %get3A_367] {strides = array<i32>} : memref<64x768xf32, #tpu.memory_space<vmem>>, vector<1x16xf32>,
        %get3A_369 = vector.shape_cast %get3A_368 : vector<1x16xf32> to vector<16xf32>
        %mul3A_370 = arith.mulf %get3A_369, %gather3A_66 : vector<16xf32>
        %swap3A_371 = arith.index_cast %scan3A_60 : i32 to index
        %swap3A_372 = arith.constant 480 : index
        %swap3A_373 = tpu.vector_load %arg8[%swap3A_371, %swap3A_372] {strides = array<i32>} : memref<64x768xf32, #tpu.memory_space<vmem>>, vector<1x16xf32>,
        %swap3A_374 = vector.shape_cast %swap3A_373 : vector<1x16xf32> to vector<16xf32>
        %swap3A_375 = vector.shape_cast %mul3A_370 : vector<16xf32> to vector<1x16xf32>
        tpu.vector_store %arg8[%swap3A_371, %swap3A_372], %swap3A_375 {strides = array<i32>} : memref<64x768xf32, #tpu.memory_space<vmem>>, vector<1x16xf32>,
        %get3A_376 = arith.index_cast %scan3A_60 : i32 to index
        %get3A_377 = arith.constant 496 : index
        %get3A_378 = tpu.vector_load %arg8[%get3A_376, %get3A_377] {strides = array<i32>} : memref<64x768xf32, #tpu.memory_space<vmem>>, vector<1x16xf32>,
        %get3A_379 = vector.shape_cast %get3A_378 : vector<1x16xf32> to vector<16xf32>
        %mul3A_380 = arith.mulf %get3A_379, %gather3A_66 : vector<16xf32>
        %swap3A_381 = arith.index_cast %scan3A_60 : i32 to index
        %swap3A_382 = arith.constant 496 : index
        %swap3A_383 = tpu.vector_load %arg8[%swap3A_381, %swap3A_382] {strides = array<i32>} : memref<64x768xf32, #tpu.memory_space<vmem>>, vector<1x16xf32>,
        %swap3A_384 = vector.shape_cast %swap3A_383 : vector<1x16xf32> to vector<16xf32>
        %swap3A_385 = vector.shape_cast %mul3A_380 : vector<16xf32> to vector<1x16xf32>
        tpu.vector_store %arg8[%swap3A_381, %swap3A_382], %swap3A_385 {strides = array<i32>} : memref<64x768xf32, #tpu.memory_space<vmem>>, vector<1x16xf32>,
        %get3A_386 = arith.index_cast %scan3A_60 : i32 to index
        %get3A_387 = arith.constant 512 : index
        %get3A_388 = tpu.vector_load %arg8[%get3A_386, %get3A_387] {strides = array<i32>} : memref<64x768xf32, #tpu.memory_space<vmem>>, vector<1x16xf32>,
        %get3A_389 = vector.shape_cast %get3A_388 : vector<1x16xf32> to vector<16xf32>
        %mul3A_390 = arith.mulf %get3A_389, %gather3A_66 : vector<16xf32>
        %swap3A_391 = arith.index_cast %scan3A_60 : i32 to index
        %swap3A_392 = arith.constant 512 : index
        %swap3A_393 = tpu.vector_load %arg8[%swap3A_391, %swap3A_392] {strides = array<i32>} : memref<64x768xf32, #tpu.memory_space<vmem>>, vector<1x16xf32>,
        %swap3A_394 = vector.shape_cast %swap3A_393 : vector<1x16xf32> to vector<16xf32>
        %swap3A_395 = vector.shape_cast %mul3A_390 : vector<16xf32> to vector<1x16xf32>
        tpu.vector_store %arg8[%swap3A_391, %swap3A_392], %swap3A_395 {strides = array<i32>} : memref<64x768xf32, #tpu.memory_space<vmem>>, vector<1x16xf32>,
        %get3A_396 = arith.index_cast %scan3A_60 : i32 to index
        %get3A_397 = arith.constant 528 : index
        %get3A_398 = tpu.vector_load %arg8[%get3A_396, %get3A_397] {strides = array<i32>} : memref<64x768xf32, #tpu.memory_space<vmem>>, vector<1x16xf32>,
        %get3A_399 = vector.shape_cast %get3A_398 : vector<1x16xf32> to vector<16xf32>
        %mul3A_400 = arith.mulf %get3A_399, %gather3A_66 : vector<16xf32>
        %swap3A_401 = arith.index_cast %scan3A_60 : i32 to index
        %swap3A_402 = arith.constant 528 : index
        %swap3A_403 = tpu.vector_load %arg8[%swap3A_401, %swap3A_402] {strides = array<i32>} : memref<64x768xf32, #tpu.memory_space<vmem>>, vector<1x16xf32>,
        %swap3A_404 = vector.shape_cast %swap3A_403 : vector<1x16xf32> to vector<16xf32>
        %swap3A_405 = vector.shape_cast %mul3A_400 : vector<16xf32> to vector<1x16xf32>
        tpu.vector_store %arg8[%swap3A_401, %swap3A_402], %swap3A_405 {strides = array<i32>} : memref<64x768xf32, #tpu.memory_space<vmem>>, vector<1x16xf32>,
        %get3A_406 = arith.index_cast %scan3A_60 : i32 to index
        %get3A_407 = arith.constant 544 : index
        %get3A_408 = tpu.vector_load %arg8[%get3A_406, %get3A_407] {strides = array<i32>} : memref<64x768xf32, #tpu.memory_space<vmem>>, vector<1x16xf32>,
        %get3A_409 = vector.shape_cast %get3A_408 : vector<1x16xf32> to vector<16xf32>
        %mul3A_410 = arith.mulf %get3A_409, %gather3A_66 : vector<16xf32>
        %swap3A_411 = arith.index_cast %scan3A_60 : i32 to index
        %swap3A_412 = arith.constant 544 : index
        %swap3A_413 = tpu.vector_load %arg8[%swap3A_411, %swap3A_412] {strides = array<i32>} : memref<64x768xf32, #tpu.memory_space<vmem>>, vector<1x16xf32>,
        %swap3A_414 = vector.shape_cast %swap3A_413 : vector<1x16xf32> to vector<16xf32>
        %swap3A_415 = vector.shape_cast %mul3A_410 : vector<16xf32> to vector<1x16xf32>
        tpu.vector_store %arg8[%swap3A_411, %swap3A_412], %swap3A_415 {strides = array<i32>} : memref<64x768xf32, #tpu.memory_space<vmem>>, vector<1x16xf32>,
        %get3A_416 = arith.index_cast %scan3A_60 : i32 to index
        %get3A_417 = arith.constant 560 : index
        %get3A_418 = tpu.vector_load %arg8[%get3A_416, %get3A_417] {strides = array<i32>} : memref<64x768xf32, #tpu.memory_space<vmem>>, vector<1x16xf32>,
        %get3A_419 = vector.shape_cast %get3A_418 : vector<1x16xf32> to vector<16xf32>
        %mul3A_420 = arith.mulf %get3A_419, %gather3A_66 : vector<16xf32>
        %swap3A_421 = arith.index_cast %scan3A_60 : i32 to index
        %swap3A_422 = arith.constant 560 : index
        %swap3A_423 = tpu.vector_load %arg8[%swap3A_421, %swap3A_422] {strides = array<i32>} : memref<64x768xf32, #tpu.memory_space<vmem>>, vector<1x16xf32>,
        %swap3A_424 = vector.shape_cast %swap3A_423 : vector<1x16xf32> to vector<16xf32>
        %swap3A_425 = vector.shape_cast %mul3A_420 : vector<16xf32> to vector<1x16xf32>
        tpu.vector_store %arg8[%swap3A_421, %swap3A_422], %swap3A_425 {strides = array<i32>} : memref<64x768xf32, #tpu.memory_space<vmem>>, vector<1x16xf32>,
        %get3A_426 = arith.index_cast %scan3A_60 : i32 to index
        %get3A_427 = arith.constant 576 : index
        %get3A_428 = tpu.vector_load %arg8[%get3A_426, %get3A_427] {strides = array<i32>} : memref<64x768xf32, #tpu.memory_space<vmem>>, vector<1x16xf32>,
        %get3A_429 = vector.shape_cast %get3A_428 : vector<1x16xf32> to vector<16xf32>
        %mul3A_430 = arith.mulf %get3A_429, %gather3A_66 : vector<16xf32>
        %swap3A_431 = arith.index_cast %scan3A_60 : i32 to index
        %swap3A_432 = arith.constant 576 : index
        %swap3A_433 = tpu.vector_load %arg8[%swap3A_431, %swap3A_432] {strides = array<i32>} : memref<64x768xf32, #tpu.memory_space<vmem>>, vector<1x16xf32>,
        %swap3A_434 = vector.shape_cast %swap3A_433 : vector<1x16xf32> to vector<16xf32>
        %swap3A_435 = vector.shape_cast %mul3A_430 : vector<16xf32> to vector<1x16xf32>
        tpu.vector_store %arg8[%swap3A_431, %swap3A_432], %swap3A_435 {strides = array<i32>} : memref<64x768xf32, #tpu.memory_space<vmem>>, vector<1x16xf32>,
        %get3A_436 = arith.index_cast %scan3A_60 : i32 to index
        %get3A_437 = arith.constant 592 : index
        %get3A_438 = tpu.vector_load %arg8[%get3A_436, %get3A_437] {strides = array<i32>} : memref<64x768xf32, #tpu.memory_space<vmem>>, vector<1x16xf32>,
        %get3A_439 = vector.shape_cast %get3A_438 : vector<1x16xf32> to vector<16xf32>
        %mul3A_440 = arith.mulf %get3A_439, %gather3A_66 : vector<16xf32>
        %swap3A_441 = arith.index_cast %scan3A_60 : i32 to index
        %swap3A_442 = arith.constant 592 : index
        %swap3A_443 = tpu.vector_load %arg8[%swap3A_441, %swap3A_442] {strides = array<i32>} : memref<64x768xf32, #tpu.memory_space<vmem>>, vector<1x16xf32>,
        %swap3A_444 = vector.shape_cast %swap3A_443 : vector<1x16xf32> to vector<16xf32>
        %swap3A_445 = vector.shape_cast %mul3A_440 : vector<16xf32> to vector<1x16xf32>
        tpu.vector_store %arg8[%swap3A_441, %swap3A_442], %swap3A_445 {strides = array<i32>} : memref<64x768xf32, #tpu.memory_space<vmem>>, vector<1x16xf32>,
        %get3A_446 = arith.index_cast %scan3A_60 : i32 to index
        %get3A_447 = arith.constant 608 : index
        %get3A_448 = tpu.vector_load %arg8[%get3A_446, %get3A_447] {strides = array<i32>} : memref<64x768xf32, #tpu.memory_space<vmem>>, vector<1x16xf32>,
        %get3A_449 = vector.shape_cast %get3A_448 : vector<1x16xf32> to vector<16xf32>
        %mul3A_450 = arith.mulf %get3A_449, %gather3A_66 : vector<16xf32>
        %swap3A_451 = arith.index_cast %scan3A_60 : i32 to index
        %swap3A_452 = arith.constant 608 : index
        %swap3A_453 = tpu.vector_load %arg8[%swap3A_451, %swap3A_452] {strides = array<i32>} : memref<64x768xf32, #tpu.memory_space<vmem>>, vector<1x16xf32>,
        %swap3A_454 = vector.shape_cast %swap3A_453 : vector<1x16xf32> to vector<16xf32>
        %swap3A_455 = vector.shape_cast %mul3A_450 : vector<16xf32> to vector<1x16xf32>
        tpu.vector_store %arg8[%swap3A_451, %swap3A_452], %swap3A_455 {strides = array<i32>} : memref<64x768xf32, #tpu.memory_space<vmem>>, vector<1x16xf32>,
        %get3A_456 = arith.index_cast %scan3A_60 : i32 to index
        %get3A_457 = arith.constant 624 : index
        %get3A_458 = tpu.vector_load %arg8[%get3A_456, %get3A_457] {strides = array<i32>} : memref<64x768xf32, #tpu.memory_space<vmem>>, vector<1x16xf32>,
        %get3A_459 = vector.shape_cast %get3A_458 : vector<1x16xf32> to vector<16xf32>
        %mul3A_460 = arith.mulf %get3A_459, %gather3A_66 : vector<16xf32>
        %swap3A_461 = arith.index_cast %scan3A_60 : i32 to index
        %swap3A_462 = arith.constant 624 : index
        %swap3A_463 = tpu.vector_load %arg8[%swap3A_461, %swap3A_462] {strides = array<i32>} : memref<64x768xf32, #tpu.memory_space<vmem>>, vector<1x16xf32>,
        %swap3A_464 = vector.shape_cast %swap3A_463 : vector<1x16xf32> to vector<16xf32>
        %swap3A_465 = vector.shape_cast %mul3A_460 : vector<16xf32> to vector<1x16xf32>
        tpu.vector_store %arg8[%swap3A_461, %swap3A_462], %swap3A_465 {strides = array<i32>} : memref<64x768xf32, #tpu.memory_space<vmem>>, vector<1x16xf32>,
        %get3A_466 = arith.index_cast %scan3A_60 : i32 to index
        %get3A_467 = arith.constant 640 : index
        %get3A_468 = tpu.vector_load %arg8[%get3A_466, %get3A_467] {strides = array<i32>} : memref<64x768xf32, #tpu.memory_space<vmem>>, vector<1x16xf32>,
        %get3A_469 = vector.shape_cast %get3A_468 : vector<1x16xf32> to vector<16xf32>
        %mul3A_470 = arith.mulf %get3A_469, %gather3A_66 : vector<16xf32>
        %swap3A_471 = arith.index_cast %scan3A_60 : i32 to index
        %swap3A_472 = arith.constant 640 : index
        %swap3A_473 = tpu.vector_load %arg8[%swap3A_471, %swap3A_472] {strides = array<i32>} : memref<64x768xf32, #tpu.memory_space<vmem>>, vector<1x16xf32>,
        %swap3A_474 = vector.shape_cast %swap3A_473 : vector<1x16xf32> to vector<16xf32>
        %swap3A_475 = vector.shape_cast %mul3A_470 : vector<16xf32> to vector<1x16xf32>
        tpu.vector_store %arg8[%swap3A_471, %swap3A_472], %swap3A_475 {strides = array<i32>} : memref<64x768xf32, #tpu.memory_space<vmem>>, vector<1x16xf32>,
        %get3A_476 = arith.index_cast %scan3A_60 : i32 to index
        %get3A_477 = arith.constant 656 : index
        %get3A_478 = tpu.vector_load %arg8[%get3A_476, %get3A_477] {strides = array<i32>} : memref<64x768xf32, #tpu.memory_space<vmem>>, vector<1x16xf32>,
        %get3A_479 = vector.shape_cast %get3A_478 : vector<1x16xf32> to vector<16xf32>
        %mul3A_480 = arith.mulf %get3A_479, %gather3A_66 : vector<16xf32>
        %swap3A_481 = arith.index_cast %scan3A_60 : i32 to index
        %swap3A_482 = arith.constant 656 : index
        %swap3A_483 = tpu.vector_load %arg8[%swap3A_481, %swap3A_482] {strides = array<i32>} : memref<64x768xf32, #tpu.memory_space<vmem>>, vector<1x16xf32>,
        %swap3A_484 = vector.shape_cast %swap3A_483 : vector<1x16xf32> to vector<16xf32>
        %swap3A_485 = vector.shape_cast %mul3A_480 : vector<16xf32> to vector<1x16xf32>
        tpu.vector_store %arg8[%swap3A_481, %swap3A_482], %swap3A_485 {strides = array<i32>} : memref<64x768xf32, #tpu.memory_space<vmem>>, vector<1x16xf32>,
        %get3A_486 = arith.index_cast %scan3A_60 : i32 to index
        %get3A_487 = arith.constant 672 : index
        %get3A_488 = tpu.vector_load %arg8[%get3A_486, %get3A_487] {strides = array<i32>} : memref<64x768xf32, #tpu.memory_space<vmem>>, vector<1x16xf32>,
        %get3A_489 = vector.shape_cast %get3A_488 : vector<1x16xf32> to vector<16xf32>
        %mul3A_490 = arith.mulf %get3A_489, %gather3A_66 : vector<16xf32>
        %swap3A_491 = arith.index_cast %scan3A_60 : i32 to index
        %swap3A_492 = arith.constant 672 : index
        %swap3A_493 = tpu.vector_load %arg8[%swap3A_491, %swap3A_492] {strides = array<i32>} : memref<64x768xf32, #tpu.memory_space<vmem>>, vector<1x16xf32>,
        %swap3A_494 = vector.shape_cast %swap3A_493 : vector<1x16xf32> to vector<16xf32>
        %swap3A_495 = vector.shape_cast %mul3A_490 : vector<16xf32> to vector<1x16xf32>
        tpu.vector_store %arg8[%swap3A_491, %swap3A_492], %swap3A_495 {strides = array<i32>} : memref<64x768xf32, #tpu.memory_space<vmem>>, vector<1x16xf32>,
        %get3A_496 = arith.index_cast %scan3A_60 : i32 to index
        %get3A_497 = arith.constant 688 : index
        %get3A_498 = tpu.vector_load %arg8[%get3A_496, %get3A_497] {strides = array<i32>} : memref<64x768xf32, #tpu.memory_space<vmem>>, vector<1x16xf32>,
        %get3A_499 = vector.shape_cast %get3A_498 : vector<1x16xf32> to vector<16xf32>
        %mul3A_500 = arith.mulf %get3A_499, %gather3A_66 : vector<16xf32>
        %swap3A_501 = arith.index_cast %scan3A_60 : i32 to index
        %swap3A_502 = arith.constant 688 : index
        %swap3A_503 = tpu.vector_load %arg8[%swap3A_501, %swap3A_502] {strides = array<i32>} : memref<64x768xf32, #tpu.memory_space<vmem>>, vector<1x16xf32>,
        %swap3A_504 = vector.shape_cast %swap3A_503 : vector<1x16xf32> to vector<16xf32>
        %swap3A_505 = vector.shape_cast %mul3A_500 : vector<16xf32> to vector<1x16xf32>
        tpu.vector_store %arg8[%swap3A_501, %swap3A_502], %swap3A_505 {strides = array<i32>} : memref<64x768xf32, #tpu.memory_space<vmem>>, vector<1x16xf32>,
        %get3A_506 = arith.index_cast %scan3A_60 : i32 to index
        %get3A_507 = arith.constant 704 : index
        %get3A_508 = tpu.vector_load %arg8[%get3A_506, %get3A_507] {strides = array<i32>} : memref<64x768xf32, #tpu.memory_space<vmem>>, vector<1x16xf32>,
        %get3A_509 = vector.shape_cast %get3A_508 : vector<1x16xf32> to vector<16xf32>
        %mul3A_510 = arith.mulf %get3A_509, %gather3A_66 : vector<16xf32>
        %swap3A_511 = arith.index_cast %scan3A_60 : i32 to index
        %swap3A_512 = arith.constant 704 : index
        %swap3A_513 = tpu.vector_load %arg8[%swap3A_511, %swap3A_512] {strides = array<i32>} : memref<64x768xf32, #tpu.memory_space<vmem>>, vector<1x16xf32>,
        %swap3A_514 = vector.shape_cast %swap3A_513 : vector<1x16xf32> to vector<16xf32>
        %swap3A_515 = vector.shape_cast %mul3A_510 : vector<16xf32> to vector<1x16xf32>
        tpu.vector_store %arg8[%swap3A_511, %swap3A_512], %swap3A_515 {strides = array<i32>} : memref<64x768xf32, #tpu.memory_space<vmem>>, vector<1x16xf32>,
        %get3A_516 = arith.index_cast %scan3A_60 : i32 to index
        %get3A_517 = arith.constant 720 : index
        %get3A_518 = tpu.vector_load %arg8[%get3A_516, %get3A_517] {strides = array<i32>} : memref<64x768xf32, #tpu.memory_space<vmem>>, vector<1x16xf32>,
        %get3A_519 = vector.shape_cast %get3A_518 : vector<1x16xf32> to vector<16xf32>
        %mul3A_520 = arith.mulf %get3A_519, %gather3A_66 : vector<16xf32>
        %swap3A_521 = arith.index_cast %scan3A_60 : i32 to index
        %swap3A_522 = arith.constant 720 : index
        %swap3A_523 = tpu.vector_load %arg8[%swap3A_521, %swap3A_522] {strides = array<i32>} : memref<64x768xf32, #tpu.memory_space<vmem>>, vector<1x16xf32>,
        %swap3A_524 = vector.shape_cast %swap3A_523 : vector<1x16xf32> to vector<16xf32>
        %swap3A_525 = vector.shape_cast %mul3A_520 : vector<16xf32> to vector<1x16xf32>
        tpu.vector_store %arg8[%swap3A_521, %swap3A_522], %swap3A_525 {strides = array<i32>} : memref<64x768xf32, #tpu.memory_space<vmem>>, vector<1x16xf32>,
        %get3A_526 = arith.index_cast %scan3A_60 : i32 to index
        %get3A_527 = arith.constant 736 : index
        %get3A_528 = tpu.vector_load %arg8[%get3A_526, %get3A_527] {strides = array<i32>} : memref<64x768xf32, #tpu.memory_space<vmem>>, vector<1x16xf32>,
        %get3A_529 = vector.shape_cast %get3A_528 : vector<1x16xf32> to vector<16xf32>
        %mul3A_530 = arith.mulf %get3A_529, %gather3A_66 : vector<16xf32>
        %swap3A_531 = arith.index_cast %scan3A_60 : i32 to index
        %swap3A_532 = arith.constant 736 : index
        %swap3A_533 = tpu.vector_load %arg8[%swap3A_531, %swap3A_532] {strides = array<i32>} : memref<64x768xf32, #tpu.memory_space<vmem>>, vector<1x16xf32>,
        %swap3A_534 = vector.shape_cast %swap3A_533 : vector<1x16xf32> to vector<16xf32>
        %swap3A_535 = vector.shape_cast %mul3A_530 : vector<16xf32> to vector<1x16xf32>
        tpu.vector_store %arg8[%swap3A_531, %swap3A_532], %swap3A_535 {strides = array<i32>} : memref<64x768xf32, #tpu.memory_space<vmem>>, vector<1x16xf32>,
        %get3A_536 = arith.index_cast %scan3A_60 : i32 to index
        %get3A_537 = arith.constant 752 : index
        %get3A_538 = tpu.vector_load %arg8[%get3A_536, %get3A_537] {strides = array<i32>} : memref<64x768xf32, #tpu.memory_space<vmem>>, vector<1x16xf32>,
        %get3A_539 = vector.shape_cast %get3A_538 : vector<1x16xf32> to vector<16xf32>
        %mul3A_540 = arith.mulf %get3A_539, %gather3A_66 : vector<16xf32>
        %swap3A_541 = arith.index_cast %scan3A_60 : i32 to index
        %swap3A_542 = arith.constant 752 : index
        %swap3A_543 = tpu.vector_load %arg8[%swap3A_541, %swap3A_542] {strides = array<i32>} : memref<64x768xf32, #tpu.memory_space<vmem>>, vector<1x16xf32>,
        %swap3A_544 = vector.shape_cast %swap3A_543 : vector<1x16xf32> to vector<16xf32>
        %swap3A_545 = vector.shape_cast %mul3A_540 : vector<16xf32> to vector<1x16xf32>
        tpu.vector_store %arg8[%swap3A_541, %swap3A_542], %swap3A_545 {strides = array<i32>} : memref<64x768xf32, #tpu.memory_space<vmem>>, vector<1x16xf32>,
      }
      %scan3A_59 = arith.constant 64 : i32
      "tpu.region"() ({
        %run_scoped3A = tpu.sem_alloc : memref<!tpu.dma_semaphore, #tpu.memory_space<semaphore_mem>>
        %dma_start3A_60 = arith.constant 0 : i32
        %dma_start3A_61 = tpu.memref_slice %arg5[%select_n3A, %add3A_41, %dma_start3A_60] : memref<4x8192x768xf32, #tpu.memory_space<hbm>> -> memref<1x64x768xf32, #tpu.memory_space<hbm>>
        %dma_start3A_62 = tpu.memref_squeeze %dma_start3A_61 : memref<1x64x768xf32, #tpu.memory_space<hbm>> -> memref<64x768xf32, #tpu.memory_space<hbm>>
        %dma_start3A_63 = arith.constant 0 : i32
        %dma_start3A_64 = tpu.memref_slice %arg5[%select_n3A, %add3A_41, %dma_start3A_63] : memref<4x8192x768xf32, #tpu.memory_space<hbm>> -> memref<1x64x768xf32, #tpu.memory_space<hbm>>
        %dma_start3A_65 = tpu.memref_squeeze %dma_start3A_64 : memref<1x64x768xf32, #tpu.memory_space<hbm>> -> memref<64x768xf32, #tpu.memory_space<hbm>>
        tpu.enqueue_dma source(%arg8 : memref<64x768xf32, #tpu.memory_space<vmem>>) target(%dma_start3A_65 : memref<64x768xf32, #tpu.memory_space<hbm>>) target_semaphore(%run_scoped3A : memref<!tpu.dma_semaphore, #tpu.memory_space<semaphore_mem>>)
        %dma_wait3A_66 = arith.constant 0 : i32
        %dma_wait3A_67 = tpu.memref_slice %arg5[%select_n3A, %add3A_41, %dma_wait3A_66] : memref<4x8192x768xf32, #tpu.memory_space<hbm>> -> memref<1x64x768xf32, #tpu.memory_space<hbm>>
        %dma_wait3A_68 = tpu.memref_squeeze %dma_wait3A_67 : memref<1x64x768xf32, #tpu.memory_space<hbm>> -> memref<64x768xf32, #tpu.memory_space<hbm>>
        %dma_wait3A_69 = arith.constant 0 : i32
        %dma_wait3A_70 = tpu.memref_slice %arg5[%select_n3A, %add3A_41, %dma_wait3A_69] : memref<4x8192x768xf32, #tpu.memory_space<hbm>> -> memref<1x64x768xf32, #tpu.memory_space<hbm>>
        %dma_wait3A_71 = tpu.memref_squeeze %dma_wait3A_70 : memref<1x64x768xf32, #tpu.memory_space<hbm>> -> memref<64x768xf32, #tpu.memory_space<hbm>>
        tpu.wait_dma2 semaphore(%run_scoped3A : memref<!tpu.dma_semaphore, #tpu.memory_space<semaphore_mem>>) src(%arg8 : memref<64x768xf32, #tpu.memory_space<vmem>>) dst(%dma_wait3A_71 : memref<64x768xf32, #tpu.memory_space<hbm>>)
        tpu.yield
      }) : () -> ()
    }
    %scan3A_37 = arith.constant 16 : i32
    return
  }
}

module attributes {stable_mosaic.version = 14 : i64} {
  func.func @_tc_body(%arg0: i32, %arg1: i32, %arg2: memref<1x256x768xf32, #tpu.memory_space<vmem>>, %arg3: memref<768x1536xf32, #tpu.memory_space<vmem>>, %arg4: memref<1x768xf32, #tpu.memory_space<vmem>>, %arg5: memref<4x8200x8xf32, #tpu.memory_space<any>>, %arg6: memref<1x1xf32, #tpu.memory_space<smem>>, %arg7: memref<8200x8xf32, #tpu.memory_space<vmem>>, %arg8: memref<1x768xf32, #tpu.memory_space<vmem>>, %arg9: memref<1xi32, #tpu.memory_space<smem>>, %arg10: memref<1xf32, #tpu.memory_space<smem>>, %arg11: memref<!tpu.dma_semaphore, #tpu.memory_space<semaphore_mem>>) attributes {dimension_semantics = [#tpu.dimension_semantics<arbitrary>, #tpu.dimension_semantics<arbitrary>], iteration_bounds = array<i64: 4, 32>, scalar_prefetch = 0 : i64, scratch_operands = 5 : i64, tpu.core_type = #tpu.core_type<tc>, window_params = [{transform_indices = @transform_0, window_bounds = array<i64: 1, 256, 768>}, {pipeline_mode = #tpu.pipeline_mode<synchronous>, transform_indices = @transform_1, window_bounds = array<i64: 768, 1536>}, {pipeline_mode = #tpu.pipeline_mode<synchronous>, transform_indices = @transform_2, window_bounds = array<i64: 1, 768>}, {}, {transform_indices = @transform_4, window_bounds = array<i64: 1, 1>}]} {
    %get3A = arith.constant 0 : index
    %get3A_0 = arith.constant 0 : index
    %get3A_1 = arith.constant 0 : index
    %get3A_2 = vector.load %arg2[%get3A, %get3A_0, %get3A_1] : memref<1x256x768xf32, #tpu.memory_space<vmem>>, vector<1x256x768xf32>
    %get3A_3 = vector.shape_cast %get3A_2 : vector<1x256x768xf32> to vector<256x768xf32>
    %get3A_4 = arith.constant 0 : index
    %get3A_5 = arith.constant 0 : index
    %get3A_6 = vector.load %arg3[%get3A_4, %get3A_5] : memref<768x1536xf32, #tpu.memory_space<vmem>>, vector<768x1536xf32>
    %dot_general3A = arith.constant dense<0.000000e+00> : vector<256x1536xf32>
    %dot_general3A_7 = tpu.matmul %get3A_3, %get3A_6, %dot_general3A {dimension_numbers = #tpu.dot_dimension_numbers<[1], [0], [0], [1], [0, 0, 1, 1], [], []>, transpose_lhs_hint = false} : vector<256x768xf32>, vector<768x1536xf32>, vector<256x1536xf32> -> vector<256x1536xf32>
    %slice3A = vector.extract_strided_slice %dot_general3A_7 {offsets = [0, 0], sizes = [256, 768], strides = [1, 1]} : vector<256x1536xf32> to vector<256x768xf32>
    %slice3A_8 = vector.extract_strided_slice %dot_general3A_7 {offsets = [0, 768], sizes = [256, 768], strides = [1, 1]} : vector<256x1536xf32> to vector<256x768xf32>
    %eq3A = arith.constant 0 : i32
    %eq3A_9 = arith.cmpi eq, %arg1, %eq3A : i32
    %get3A_10 = arith.constant 0 : index
    %get3A_11 = arith.constant 0 : index
    %get3A_12 = vector.load %arg4[%get3A_10, %get3A_11] : memref<1x768xf32, #tpu.memory_space<vmem>>, vector<1x768xf32>
    %get3A_13 = arith.constant 0 : index
    %get3A_14 = arith.constant 0 : index
    %get3A_15 = vector.load %arg8[%get3A_13, %get3A_14] : memref<1x768xf32, #tpu.memory_space<vmem>>, vector<1x768xf32>
    %select_n3A = arith.select %eq3A_9, %get3A_12, %get3A_15 : vector<1x768xf32>
    %slice3A_16 = vector.extract_strided_slice %slice3A_8 {offsets = [0, 0], sizes = [255, 768], strides = [1, 1]} : vector<256x768xf32> to vector<255x768xf32>
    %concatenate3A = tpu.concatenate %select_n3A, %slice3A_16 in 0 : vector<1x768xf32>, vector<255x768xf32> -> vector<256x768xf32>
    %slice3A_17 = vector.extract_strided_slice %slice3A_8 {offsets = [255, 0], sizes = [1, 768], strides = [1, 1]} : vector<256x768xf32> to vector<1x768xf32>
    %swap3A = arith.constant 0 : index
    %swap3A_18 = arith.constant 0 : index
    %swap3A_19 = vector.load %arg8[%swap3A, %swap3A_18] : memref<1x768xf32, #tpu.memory_space<vmem>>, vector<1x768xf32>
    tpu.vector_store %arg8[%swap3A, %swap3A_18], %slice3A_17 {strides = array<i32>} : memref<1x768xf32, #tpu.memory_space<vmem>>, vector<1x768xf32>,
    %mul3A = arith.mulf %slice3A, %concatenate3A : vector<256x768xf32>
    %reduce_sum3A = arith.constant dense<0.000000e+00> : vector<256xf32>
    %reduce_sum3A_20 = vector.multi_reduction <add>, %mul3A, %reduce_sum3A [1] : vector<256x768xf32> to vector<256xf32>
    %broadcast_in_dim3A = vector.shape_cast %reduce_sum3A_20 : vector<256xf32> to vector<256x1xf32>
    %mul3A_21 = arith.mulf %slice3A, %slice3A : vector<256x768xf32>
    %reduce_sum3A_22 = arith.constant dense<0.000000e+00> : vector<256xf32>
    %reduce_sum3A_23 = vector.multi_reduction <add>, %mul3A_21, %reduce_sum3A_22 [1] : vector<256x768xf32> to vector<256xf32>
    %broadcast_in_dim3A_24 = vector.shape_cast %reduce_sum3A_23 : vector<256xf32> to vector<256x1xf32>
    %sqrt3A = math.sqrt %broadcast_in_dim3A_24 : vector<256x1xf32>
    %mul3A_25 = arith.mulf %concatenate3A, %concatenate3A : vector<256x768xf32>
    %reduce_sum3A_26 = arith.constant dense<0.000000e+00> : vector<256xf32>
    %reduce_sum3A_27 = vector.multi_reduction <add>, %mul3A_25, %reduce_sum3A_26 [1] : vector<256x768xf32> to vector<256xf32>
    %broadcast_in_dim3A_28 = vector.shape_cast %reduce_sum3A_27 : vector<256xf32> to vector<256x1xf32>
    %sqrt3A_29 = math.sqrt %broadcast_in_dim3A_28 : vector<256x1xf32>
    %max3A = arith.constant 9.99999993E-9 : f32
    %max3A_30 = vector.broadcast %max3A : f32 to vector<256x1xf32>
    %max3A_31 = arith.maximumf %sqrt3A, %max3A_30 : vector<256x1xf32>
    %max3A_32 = arith.constant 9.99999993E-9 : f32
    %max3A_33 = vector.broadcast %max3A_32 : f32 to vector<256x1xf32>
    %max3A_34 = arith.maximumf %sqrt3A_29, %max3A_33 : vector<256x1xf32>
    %mul3A_35 = arith.mulf %max3A_31, %max3A_34 : vector<256x1xf32>
    %div3A = arith.divf %broadcast_in_dim3A, %mul3A_35 : vector<256x1xf32>
    %sub3A = arith.constant 1.000000e+00 : f32
    %sub3A_36 = vector.broadcast %sub3A : f32 to vector<256x1xf32>
    %sub3A_37 = arith.subf %sub3A_36, %div3A : vector<256x1xf32>
    %mul3A_38 = arith.constant 5.000000e-01 : f32
    %mul3A_39 = vector.broadcast %mul3A_38 : f32 to vector<256x1xf32>
    %mul3A_40 = arith.mulf %sub3A_37, %mul3A_39 : vector<256x1xf32>
    %mul3A_41 = arith.constant 256 : i32
    %mul3A_42 = arith.muli %arg1, %mul3A_41 : i32
    %iota3A = tpu.iota {dimensions = array<i32: 0>} : vector<256x1xi32>
    %gt3A = arith.constant 5.000000e-01 : f32
    %gt3A_43 = vector.broadcast %gt3A : f32 to vector<256x1xf32>
    %gt3A_44 = arith.cmpf ogt, %mul3A_40, %gt3A_43 : vector<256x1xf32>
    %add3A = vector.broadcast %mul3A_42 : i32 to vector<256x1xi32>
    %add3A_45 = arith.addi %iota3A, %add3A : vector<256x1xi32>
    %eq3A_46 = arith.constant 0 : i32
    %eq3A_47 = vector.broadcast %eq3A_46 : i32 to vector<256x1xi32>
    %eq3A_48 = arith.cmpi eq, %add3A_45, %eq3A_47 : vector<256x1xi32>
    %or3A = arith.ori %gt3A_44, %eq3A_48 : vector<256x1xi1>
    %convert_element_type3A = arith.extui %or3A : vector<256x1xi1> to vector<256x1xi32>
    %convert_element_type3A_49 = arith.sitofp %convert_element_type3A : vector<256x1xi32> to vector<256x1xf32>
    %iota3A_50 = tpu.iota {dimensions = array<i32: 0>} : vector<256x256xi32>
    %iota3A_51 = tpu.iota {dimensions = array<i32: 1>} : vector<256x256xi32>
    %lt3A = arith.cmpi slt, %iota3A_51, %iota3A_50 : vector<256x256xi32>
    %convert_element_type3A_52 = arith.extui %lt3A : vector<256x256xi1> to vector<256x256xi32>
    %convert_element_type3A_53 = arith.sitofp %convert_element_type3A_52 : vector<256x256xi32> to vector<256x256xf32>
    %dot_general3A_54 = arith.constant dense<0.000000e+00> : vector<256x1xf32>
    %dot_general3A_55 = tpu.matmul %convert_element_type3A_53, %convert_element_type3A_49, %dot_general3A_54 {dimension_numbers = #tpu.dot_dimension_numbers<[1], [0], [0], [1], [0, 0, 1, 1], [], []>, transpose_lhs_hint = false} : vector<256x256xf32>, vector<256x1xf32>, vector<256x1xf32> -> vector<256x1xf32>
    %convert_element_type3A_56 = arith.fptosi %dot_general3A_55 : vector<256x1xf32> to vector<256x1xi32>
    %reduce_sum3A_57 = vector.shape_cast %convert_element_type3A_49 : vector<256x1xf32> to vector<1x256x1xf32>
    %reduce_sum3A_58 = arith.constant dense<0.000000e+00> : vector<1xf32>
    %reduce_sum3A_59 = vector.multi_reduction <add>, %reduce_sum3A_57, %reduce_sum3A_58 [1, 2] : vector<1x256x1xf32> to vector<1xf32>
    %reduce_sum3A_60 = vector.shape_cast %reduce_sum3A_59 : vector<1xf32> to vector<1x1x1xf32>
    %reduce_sum3A_61 = vector.extract %reduce_sum3A_60[0, 0, 0] : f32 from vector<1x1x1xf32>
    %convert_element_type3A_62 = arith.fptosi %reduce_sum3A_61 : f32 to i32
    %eq3A_63 = arith.constant 0 : i32
    %eq3A_64 = arith.cmpi eq, %arg1, %eq3A_63 : i32
    %get3A_65 = arith.constant 0 : index
    %get3A_66 = memref.load %arg9[%get3A_65] : memref<1xi32, #tpu.memory_space<smem>>
    %jit3A = arith.constant 0 : i32
    %select_n3A_67 = arith.select %eq3A_64, %jit3A, %get3A_66 : i32
    %jit3A_68 = arith.constant 8 : i32
    %div3A_69 = arith.divsi %select_n3A_67, %jit3A_68 : i32
    %sign3A = arith.constant 0 : i32
    %sign3A_70 = arith.cmpi sgt, %select_n3A_67, %sign3A : i32
    %sign3A_71 = arith.extui %sign3A_70 : i1 to i32
    %sign3A_72 = arith.constant 0 : i32
    %sign3A_73 = arith.cmpi slt, %select_n3A_67, %sign3A_72 : i32
    %sign3A_74 = arith.extui %sign3A_73 : i1 to i32
    %sign3A_75 = arith.subi %sign3A_71, %sign3A_74 : i32
    %sign3A_76 = arith.constant 0 : i32
    %sign3A_77 = arith.cmpi sgt, %jit3A_68, %sign3A_76 : i32
    %sign3A_78 = arith.extui %sign3A_77 : i1 to i32
    %sign3A_79 = arith.constant 0 : i32
    %sign3A_80 = arith.cmpi slt, %jit3A_68, %sign3A_79 : i32
    %sign3A_81 = arith.extui %sign3A_80 : i1 to i32
    %sign3A_82 = arith.subi %sign3A_78, %sign3A_81 : i32
    %ne3A = arith.cmpi ne, %sign3A_75, %sign3A_82 : i32
    %rem3A = arith.remsi %select_n3A_67, %jit3A_68 : i32
    %ne3A_83 = arith.constant 0 : i32
    %ne3A_84 = arith.cmpi ne, %rem3A, %ne3A_83 : i32
    %and3A = arith.andi %ne3A, %ne3A_84 : i1
    %sub3A_85 = arith.constant 1 : i32
    %sub3A_86 = arith.subi %div3A_69, %sub3A_85 : i32
    %select_n3A_87 = arith.select %and3A, %sub3A_86, %div3A_69 : i32
    %mul3A_88 = arith.constant 8 : i32
    %mul3A_89 = arith.muli %select_n3A_87, %mul3A_88 : i32
    %multiple_of3A = tpu.assume_multiple %mul3A_89, 8 : i32
    %sub3A_90 = arith.subi %select_n3A_67, %multiple_of3A : i32
    %iota3A_91 = tpu.iota {dimensions = array<i32: 1>} : vector<256x264xi32>
    %add3A_92 = vector.broadcast %sub3A_90 : i32 to vector<256x1xi32>
    %add3A_93 = arith.addi %convert_element_type3A_56, %add3A_92 : vector<256x1xi32>
    %eq3A_94 = vector.broadcast %add3A_93 : vector<256x1xi32> to vector<256x264xi32>
    %eq3A_95 = arith.cmpi eq, %iota3A_91, %eq3A_94 : vector<256x264xi32>
    %and3A_96 = vector.broadcast %or3A : vector<256x1xi1> to vector<256x264xi1>
    %and3A_97 = arith.andi %and3A_96, %eq3A_95 : vector<256x264xi1>
    %jit3A_98 = arith.constant 1.000000e+00 : f32
    %jit3A_99 = arith.constant 0.000000e+00 : f32
    %broadcast_in_dim3A_100 = vector.broadcast %jit3A_98 : f32 to vector<256x264xf32>
    %broadcast_in_dim3A_101 = vector.broadcast %jit3A_99 : f32 to vector<256x264xf32>
    %select_n3A_102 = arith.select %and3A_97, %broadcast_in_dim3A_100, %broadcast_in_dim3A_101 : vector<256x264xi1>, vector<256x264xf32>
    %add3A_103 = vector.broadcast %mul3A_42 : i32 to vector<256x1xi32>
    %add3A_104 = arith.addi %iota3A, %add3A_103 : vector<256x1xi32>
    %convert_element_type3A_105 = arith.sitofp %add3A_104 : vector<256x1xi32> to vector<256x1xf32>
    %broadcast_in_dim3A_106 = arith.constant 0.000000e+00 : f32
    %broadcast_in_dim3A_107 = vector.broadcast %broadcast_in_dim3A_106 : f32 to vector<256x6xf32>
    %concatenate3A_108 = tpu.concatenate %mul3A_40, %convert_element_type3A_105, %broadcast_in_dim3A_107 in 1 : vector<256x1xf32>, vector<256x1xf32>, vector<256x6xf32> -> vector<256x8xf32>
    %convert_element_type3A_109 = arith.truncf %select_n3A_102 : vector<256x264xf32> to vector<256x264xbf16>
    %convert_element_type3A_110 = arith.truncf %concatenate3A_108 : vector<256x8xf32> to vector<256x8xbf16>
    %convert_element_type3A_111 = arith.extf %convert_element_type3A_110 : vector<256x8xbf16> to vector<256x8xf32>
    %sub3A_112 = arith.subf %concatenate3A_108, %convert_element_type3A_111 : vector<256x8xf32>
    %convert_element_type3A_113 = arith.truncf %sub3A_112 : vector<256x8xf32> to vector<256x8xbf16>
    %dot_general3A_114 = arith.constant dense<0.000000e+00> : vector<264x8xf32>
    %dot_general3A_115 = tpu.matmul %convert_element_type3A_109, %convert_element_type3A_110, %dot_general3A_114 {dimension_numbers = #tpu.dot_dimension_numbers<[0], [0], [1], [1], [0, 1, 1, 1], [], []>, transpose_lhs_hint = false} : vector<256x264xbf16>, vector<256x8xbf16>, vector<264x8xf32> -> vector<264x8xf32>
    %dot_general3A_116 = arith.constant dense<0.000000e+00> : vector<264x8xf32>
    %dot_general3A_117 = tpu.matmul %convert_element_type3A_109, %convert_element_type3A_113, %dot_general3A_116 {dimension_numbers = #tpu.dot_dimension_numbers<[0], [0], [1], [1], [0, 1, 1, 1], [], []>, transpose_lhs_hint = false} : vector<256x264xbf16>, vector<256x8xbf16>, vector<264x8xf32> -> vector<264x8xf32>
    %add3A_118 = arith.addf %dot_general3A_115, %dot_general3A_117 : vector<264x8xf32>
    %eq3A_119 = arith.constant 0 : i32
    %eq3A_120 = arith.cmpi eq, %arg1, %eq3A_119 : i32
    %gt3A_121 = arith.constant 0 : i32
    %gt3A_122 = arith.cmpi sgt, %arg0, %gt3A_121 : i32
    %and3A_123 = arith.andi %eq3A_120, %gt3A_122 : i1
    %convert_element_type3A_124 = arith.extui %and3A_123 : i1 to i32
    %cond3A = arith.constant 0 : i32
    %cond3A_125 = arith.cmpi ne, %convert_element_type3A_124, %cond3A : i32
    scf.if %cond3A_125 {
      %sub3A_190 = arith.constant 1 : i32
      %sub3A_191 = arith.subi %arg0, %sub3A_190 : i32
      %dma_wait3A = arith.constant 0 : i32
      %dma_wait3A_192 = arith.constant 0 : i32
      %dma_wait3A_193 = tpu.memref_slice %arg5[%sub3A_191, %dma_wait3A, %dma_wait3A_192] : memref<4x8200x8xf32, #tpu.memory_space<any>> -> memref<1x8200x8xf32, #tpu.memory_space<any>>
      %dma_wait3A_194 = tpu.memref_squeeze %dma_wait3A_193 : memref<1x8200x8xf32, #tpu.memory_space<any>> -> memref<8200x8xf32, #tpu.memory_space<any>>
      tpu.wait_dma2 semaphore(%arg11 : memref<!tpu.dma_semaphore, #tpu.memory_space<semaphore_mem>>) src(%arg7 : memref<8200x8xf32, #tpu.memory_space<vmem>>) dst(%dma_wait3A_194 : memref<8200x8xf32, #tpu.memory_space<any>>)
    } else {
    }
    %broadcast_in_dim3A_126 = arith.constant 0.000000e+00 : f32
    %broadcast_in_dim3A_127 = vector.broadcast %broadcast_in_dim3A_126 : f32 to vector<256x8xf32>
    %swap3A_128 = arith.index_cast %mul3A_42 : i32 to index
    %swap3A_129 = arith.constant 0 : index
    %swap3A_130 = vector.load %arg7[%swap3A_128, %swap3A_129] : memref<8200x8xf32, #tpu.memory_space<vmem>>, vector<256x8xf32>
    tpu.vector_store %arg7[%swap3A_128, %swap3A_129], %broadcast_in_dim3A_127 {strides = array<i32>} : memref<8200x8xf32, #tpu.memory_space<vmem>>, vector<256x8xf32>,
    %eq3A_131 = arith.constant 0 : i32
    %eq3A_132 = arith.cmpi eq, %arg1, %eq3A_131 : i32
    %convert_element_type3A_133 = arith.extui %eq3A_132 : i1 to i32
    %cond3A_134 = arith.constant 0 : i32
    %cond3A_135 = arith.cmpi ne, %convert_element_type3A_133, %cond3A_134 : i32
    scf.if %cond3A_135 {
      %broadcast_in_dim3A_190 = arith.constant 0.000000e+00 : f32
      %broadcast_in_dim3A_191 = vector.broadcast %broadcast_in_dim3A_190 : f32 to vector<8x8xf32>
      %swap3A_192 = arith.constant 8192 : index
      %swap3A_193 = arith.constant 0 : index
      %swap3A_194 = vector.load %arg7[%swap3A_192, %swap3A_193] : memref<8200x8xf32, #tpu.memory_space<vmem>>, vector<8x8xf32>
      tpu.vector_store %arg7[%swap3A_192, %swap3A_193], %broadcast_in_dim3A_191 {strides = array<i32>} : memref<8200x8xf32, #tpu.memory_space<vmem>>, vector<8x8xf32>,
    } else {
    }
    %iota3A_136 = tpu.iota {dimensions = array<i32: 0>} : vector<264x1xi32>
    %broadcast_in_dim3A_137 = arith.constant 0.000000e+00 : f32
    %broadcast_in_dim3A_138 = vector.broadcast %broadcast_in_dim3A_137 : f32 to vector<1x1xf32>
    %broadcast_in_dim3A_139 = arith.constant 8.192000e+03 : f32
    %broadcast_in_dim3A_140 = vector.broadcast %broadcast_in_dim3A_139 : f32 to vector<1x1xf32>
    %broadcast_in_dim3A_141 = arith.constant 0.000000e+00 : f32
    %broadcast_in_dim3A_142 = vector.broadcast %broadcast_in_dim3A_141 : f32 to vector<1x6xf32>
    %concatenate3A_143 = tpu.concatenate %broadcast_in_dim3A_138, %broadcast_in_dim3A_140, %broadcast_in_dim3A_142 in 1 : vector<1x1xf32>, vector<1x1xf32>, vector<1x6xf32> -> vector<1x8xf32>
    %eq3A_144 = arith.constant 31 : i32
    %eq3A_145 = arith.cmpi eq, %arg1, %eq3A_144 : i32
    %add3A_146 = arith.addi %convert_element_type3A_62, %sub3A_90 : i32
    %eq3A_147 = vector.broadcast %add3A_146 : i32 to vector<264x1xi32>
    %eq3A_148 = arith.cmpi eq, %iota3A_136, %eq3A_147 : vector<264x1xi32>
    %and3A_149 = vector.broadcast %eq3A_145 : i1 to vector<264x1xi1>
    %and3A_150 = arith.andi %and3A_149, %eq3A_148 : vector<264x1xi1>
    %jit3A_151 = arith.constant 0.000000e+00 : f32
    %broadcast_in_dim3A_152 = vector.shape_cast %and3A_150 : vector<264x1xi1> to vector<264x1xi1>
    %broadcast_in_dim3A_153 = vector.broadcast %broadcast_in_dim3A_152 : vector<264x1xi1> to vector<264x8xi1>
    %broadcast_in_dim3A_154 = vector.shape_cast %concatenate3A_143 : vector<1x8xf32> to vector<1x8xf32>
    %broadcast_in_dim3A_155 = vector.broadcast %broadcast_in_dim3A_154 : vector<1x8xf32> to vector<264x8xf32>
    %broadcast_in_dim3A_156 = vector.broadcast %jit3A_151 : f32 to vector<264x8xf32>
    %select_n3A_157 = arith.select %broadcast_in_dim3A_153, %broadcast_in_dim3A_155, %broadcast_in_dim3A_156 : vector<264x8xi1>, vector<264x8xf32>
    %add3A_158 = arith.addf %add3A_118, %select_n3A_157 : vector<264x8xf32>
    %lt3A_159 = vector.broadcast %sub3A_90 : i32 to vector<264x1xi32>
    %lt3A_160 = arith.cmpi slt, %iota3A_136, %lt3A_159 : vector<264x1xi32>
    %get3A_161 = arith.index_cast %multiple_of3A : i32 to index
    %get3A_162 = arith.constant 0 : index
    %get3A_163 = vector.load %arg7[%get3A_161, %get3A_162] : memref<8200x8xf32, #tpu.memory_space<vmem>>, vector<264x8xf32>
    %broadcast_in_dim3A_164 = vector.shape_cast %lt3A_160 : vector<264x1xi1> to vector<264x1xi1>
    %broadcast_in_dim3A_165 = vector.broadcast %broadcast_in_dim3A_164 : vector<264x1xi1> to vector<264x8xi1>
    %select_n3A_166 = arith.select %broadcast_in_dim3A_165, %get3A_163, %add3A_158 : vector<264x8xi1>, vector<264x8xf32>
    %swap3A_167 = arith.index_cast %multiple_of3A : i32 to index
    %swap3A_168 = arith.constant 0 : index
    %swap3A_169 = vector.load %arg7[%swap3A_167, %swap3A_168] : memref<8200x8xf32, #tpu.memory_space<vmem>>, vector<264x8xf32>
    tpu.vector_store %arg7[%swap3A_167, %swap3A_168], %select_n3A_166 {strides = array<i32>} : memref<8200x8xf32, #tpu.memory_space<vmem>>, vector<264x8xf32>,
    %add3A_170 = arith.addi %select_n3A_67, %convert_element_type3A_62 : i32
    %swap3A_171 = arith.constant 0 : index
    %swap3A_172 = memref.load %arg9[%swap3A_171] : memref<1xi32, #tpu.memory_space<smem>>
    memref.store %add3A_170, %arg9[%swap3A_171] : memref<1xi32, #tpu.memory_space<smem>>
    %eq3A_173 = arith.constant 0 : i32
    %eq3A_174 = arith.cmpi eq, %arg1, %eq3A_173 : i32
    %get3A_175 = arith.constant 0 : index
    %get3A_176 = memref.load %arg10[%get3A_175] : memref<1xf32, #tpu.memory_space<smem>>
    %jit3A_177 = arith.constant 0.000000e+00 : f32
    %select_n3A_178 = arith.select %eq3A_174, %jit3A_177, %get3A_176 : f32
    %reduce_sum3A_179 = vector.shape_cast %mul3A_40 : vector<256x1xf32> to vector<1x256x1xf32>
    %reduce_sum3A_180 = arith.constant dense<0.000000e+00> : vector<1xf32>
    %reduce_sum3A_181 = vector.multi_reduction <add>, %reduce_sum3A_179, %reduce_sum3A_180 [1, 2] : vector<1x256x1xf32> to vector<1xf32>
    %reduce_sum3A_182 = vector.shape_cast %reduce_sum3A_181 : vector<1xf32> to vector<1x1x1xf32>
    %reduce_sum3A_183 = vector.extract %reduce_sum3A_182[0, 0, 0] : f32 from vector<1x1x1xf32>
    %add3A_184 = arith.addf %select_n3A_178, %reduce_sum3A_183 : f32
    %swap3A_185 = arith.constant 0 : index
    %swap3A_186 = memref.load %arg10[%swap3A_185] : memref<1xf32, #tpu.memory_space<smem>>
    memref.store %add3A_184, %arg10[%swap3A_185] : memref<1xf32, #tpu.memory_space<smem>>
    %convert_element_type3A_187 = arith.extui %eq3A_145 : i1 to i32
    %cond3A_188 = arith.constant 0 : i32
    %cond3A_189 = arith.cmpi ne, %convert_element_type3A_187, %cond3A_188 : i32
    scf.if %cond3A_189 {
      %dma_start3A = arith.constant 0 : i32
      %dma_start3A_190 = arith.constant 0 : i32
      %dma_start3A_191 = tpu.memref_slice %arg5[%arg0, %dma_start3A, %dma_start3A_190] : memref<4x8200x8xf32, #tpu.memory_space<any>> -> memref<1x8200x8xf32, #tpu.memory_space<any>>
      %dma_start3A_192 = tpu.memref_squeeze %dma_start3A_191 : memref<1x8200x8xf32, #tpu.memory_space<any>> -> memref<8200x8xf32, #tpu.memory_space<any>>
      tpu.enqueue_dma source(%arg7 : memref<8200x8xf32, #tpu.memory_space<vmem>>) target(%dma_start3A_192 : memref<8200x8xf32, #tpu.memory_space<any>>) target_semaphore(%arg11 : memref<!tpu.dma_semaphore, #tpu.memory_space<semaphore_mem>>)
      %eq3A_193 = arith.constant 3 : i32
      %eq3A_194 = arith.cmpi eq, %arg0, %eq3A_193 : i32
      %convert_element_type3A_195 = arith.extui %eq3A_194 : i1 to i32
      %cond3A_196 = arith.constant 0 : i32
      %cond3A_197 = arith.cmpi ne, %convert_element_type3A_195, %cond3A_196 : i32
      scf.if %cond3A_197 {
        %dma_wait3A = arith.constant 0 : i32
        %dma_wait3A_228 = arith.constant 0 : i32
        %dma_wait3A_229 = tpu.memref_slice %arg5[%arg0, %dma_wait3A, %dma_wait3A_228] : memref<4x8200x8xf32, #tpu.memory_space<any>> -> memref<1x8200x8xf32, #tpu.memory_space<any>>
        %dma_wait3A_230 = tpu.memref_squeeze %dma_wait3A_229 : memref<1x8200x8xf32, #tpu.memory_space<any>> -> memref<8200x8xf32, #tpu.memory_space<any>>
        tpu.wait_dma2 semaphore(%arg11 : memref<!tpu.dma_semaphore, #tpu.memory_space<semaphore_mem>>) src(%arg7 : memref<8200x8xf32, #tpu.memory_space<vmem>>) dst(%dma_wait3A_230 : memref<8200x8xf32, #tpu.memory_space<any>>)
      } else {
      }
      %add3A_198 = arith.addi %select_n3A_67, %convert_element_type3A_62 : i32
      %convert_element_type3A_199 = arith.sitofp %add3A_198 : i32 to f32
      %div3A_200 = arith.constant 8.192000e+03 : f32
      %div3A_201 = arith.divf %convert_element_type3A_199, %div3A_200 : f32
      %div3A_202 = arith.constant 8.192000e+03 : f32
      %div3A_203 = arith.divf %add3A_184, %div3A_202 : f32
      %mul3A_204 = arith.constant 5.000000e+00 : f32
      %mul3A_205 = arith.mulf %mul3A_204, %div3A_201 : f32
      %mul3A_206 = arith.mulf %mul3A_205, %div3A_203 : f32
      %sub3A_207 = arith.constant 1.000000e+00 : f32
      %sub3A_208 = arith.subf %sub3A_207, %div3A_201 : f32
      %sub3A_209 = arith.constant 1.000000e+00 : f32
      %sub3A_210 = arith.subf %sub3A_209, %div3A_203 : f32
      %mul3A_211 = arith.mulf %sub3A_208, %sub3A_210 : f32
      %add3A_212 = arith.addf %mul3A_206, %mul3A_211 : f32
      %mul3A_213 = arith.constant 1.200000e+00 : f32
      %mul3A_214 = arith.mulf %mul3A_213, %add3A_212 : f32
      %mul3A_215 = arith.constant 7.500000e-03 : f32
      %mul3A_216 = arith.mulf %mul3A_214, %mul3A_215 : f32
      %eq3A_217 = arith.constant 0 : i32
      %eq3A_218 = arith.cmpi eq, %arg0, %eq3A_217 : i32
      %get3A_219 = arith.constant 0 : index
      %get3A_220 = arith.constant 0 : index
      %get3A_221 = memref.load %arg6[%get3A_219, %get3A_220] : memref<1x1xf32, #tpu.memory_space<smem>>
      %jit3A_222 = arith.constant 0.000000e+00 : f32
      %select_n3A_223 = arith.select %eq3A_218, %jit3A_222, %get3A_221 : f32
      %add3A_224 = arith.addf %select_n3A_223, %mul3A_216 : f32
      %swap3A_225 = arith.constant 0 : index
      %swap3A_226 = arith.constant 0 : index
      %swap3A_227 = memref.load %arg6[%swap3A_225, %swap3A_226] : memref<1x1xf32, #tpu.memory_space<smem>>
      memref.store %add3A_224, %arg6[%swap3A_225, %swap3A_226] : memref<1x1xf32, #tpu.memory_space<smem>>
    } else {
    }
    return
  }
  func.func @transform_0(%arg0: i32, %arg1: i32) -> (i32, i32, i32) {
    %c0_i32 = arith.constant 0 : i32
    %c0_i32_0 = arith.constant 0 : i32
    return %arg0, %arg1, %c0_i32 : i32, i32, i32
  }
  func.func @transform_1(%arg0: i32, %arg1: i32) -> (i32, i32) {
    %c0_i32 = arith.constant 0 : i32
    %c0_i32_0 = arith.constant 0 : i32
    %c0_i32_1 = arith.constant 0 : i32
    return %c0_i32, %c0_i32_0 : i32, i32
  }
  func.func @transform_2(%arg0: i32, %arg1: i32) -> (i32, i32) {
    %c0_i32 = arith.constant 0 : i32
    %c0_i32_0 = arith.constant 0 : i32
    %c0_i32_1 = arith.constant 0 : i32
    return %c0_i32, %c0_i32_0 : i32, i32
  }
  func.func @transform_4(%arg0: i32, %arg1: i32) -> (i32, i32) {
    %c0_i32 = arith.constant 0 : i32
    %c0_i32_0 = arith.constant 0 : i32
    %c0_i32_1 = arith.constant 0 : i32
    return %c0_i32, %c0_i32_0 : i32, i32
  }
}

</mosaic_0001>

<sc_bundles>
// kernel: kernel.4.cloned.1.call-start
scs
__scs_entry_jumppad:
0x0: {  	(pc) =	sbr.rel $0x88, $3  }
0x1: {  	(tag) =	ssettag $0x0;
	lr =	simm.s32 $0x1  }
0x2: {  	[smem:$0x3F9E] =	sst lr;
	_ =	strace $0xD0000000  }
0x3: {  	_ = 	snop  }
0x4: {  	_ = 	snop  }
0x5: {  	_ = 	snop  }
0x6: {  	_ = 	snop  }
0x7: {  	_ = 	snop  }
__scs_overlays_trampoline_lowered:
0x8: {  	[smem:$0x3FAD] =	sst s0  }
0x9: {  	[smem:$0x3FAE] =	sst s1  }
0xa: {  	[smem:$0x3FAF] =	sst s2  }
0xb: {  	[smem:$0x3FB0] =	sst s3  }
0xc: {  	[smem:$0x3FB1] =	sst s4  }
0xd: {  	[smem:$0x3FB2] =	sst s5  }
0xe: {  	[smem:$0x3FB3] =	sst s6  }
0xf: {  	[smem:$0x3FB4] =	sst s7  }
0x10: {  	[smem:$0x3FB5] =	sst s8  }
0x11: {  	[smem:$0x3FB6] =	sst s9;
	s0 =	simm.s32 @!p0 $0x0  }
0x12: {  	s1 =	sld [smem:$0x3F9C];
	s0 =	simm.s32 @p0 $0x1  }
0x13: {  	[smem:$0x3FB7] =	sst s0;
	s0 =	simm.s32 @!p1 $0x0  }
0x14: {  	s2 =	sld [smem:$0x3F9B];
	s0 =	simm.s32 @p1 $0x1  }
0x15: {  	[smem:$0x3FB8] =	sst s0;
	s0 =	simm.s32 @!p2 $0x0  }
0x16: {  	s3 =	sld [smem:$0x3FDB];
	s0 =	simm.s32 @p2 $0x1  }
0x17: {  	s4 =	simm.s32 $0x1BF5;
	[smem:$0x3FBA] =	sst s0  }
0x18: {  	s0 =	sld [smem:$0x3F9D];
	_ =	swait.ge [sflag:s4], $0x0  }
0x19: {  	s7 =	sld [smem:$0x3F9E]  }
0x1a: {  	s8 =	sadd.s32 $0xFFFFE003, lr  }
0x1b: {  	s9 =	sadd.s32 $0xFFFFFEF7, lr;
	s5 =	simm.s32 $0xFFFFFFFF;
	p2 =	slt.u32 s8, $0xFFFFF086  }
0x1c: {  	p1 =	slt.u32 s9, $0xF7A;
	s5 =	simm.s32 @!p2 $0x0  }
0x1d: {  	s5 =	simm.s32 @p1 $0x1;
	p0 =	seq.s32 s7, s2  }
0x1e: {  	s7 =	smul.u32 @!p0 $0xF7A, s2;
	p2 =	seq.s32 @!p0 s5, $0x0  }
0x1f: {  	s9 =	smul.u32 $0xF7A, s1;
	s8 =	simm.s32 @!p0 $0x1BF5;
	p2 =	por !p2, p0  }
0x20: {  	[sflag:s8] =	ssyncset.s32 @!p0 $0xFFFFF086;
	s6 =	sadd.s32 @!p0 s3, s7;
	s7 =	simm.s32 @!p0 $0x108  }
0x21: {  	s3 =	sadd.s32 s3, s9;
	s6 =	sadd.s32 @!p0 $0x88, s6;
	s7 =	simm.s32 @p2 $0x1082  }
0x22: {  	[simem:s7], [sflag:s8] =	dma.local @!p0 [hbm:s6], $0xF7A  }
0x23: {  	s9 =	sor.u32 $0xD0000000, s2;
	s6 =	simm.s32 $0x108;
	_ =	swait.ge @!p0 [sflag:s8], $0x0  }
0x24: {  	s3 =	sadd.s32 $0x88, s3;
	s6 =	simm.s32 @!p1 $0x1082;
	[sflag:s4] =	ssyncset.s32 $0xFFFFF086  }
0x25: {  	[simem:s6], [sflag:s4] =	dma.local [hbm:s3], $0xF7A  }
0x26: {  	[smem:$0x3F9E] =	sst s1;
	(tag) =	ssettag s2;
	_ =	strace s9  }
0x27: {  	s1 =	sld [smem:$0x3FAE]  }
0x28: {  	s2 =	sld [smem:$0x3FAF]  }
0x29: {  	s4 =	sld [smem:$0x3FB1]  }
0x2a: {  	p0 =	seq.s32 s5, $0x0;
	s5 =	sld [smem:$0x3FB2]  }
0x2b: {  	s6 =	sld [smem:$0x3FB3]  }
0x2c: {  	s7 =	sld [smem:$0x3FB4]  }
0x2d: {  	s3 =	simm.s32 $0x108;
	s8 =	sld [smem:$0x3FB5]  }
0x2e: {  	s3 =	simm.s32 @!p0 $0x1082;
	s9 =	sld [smem:$0x3FB6]  }
0x2f: {  	lr =	sadd.s32 s0, s3;
	s0 =	sld [smem:$0x3FAD]  }
0x30: {  	s3 =	sld [smem:$0x3FB0]  }
0x31: {  	[smem:$0x3FB9] =	sst s10  }
0x32: {  	s10 =	sld [smem:$0x3FB7];
	_ =	sdelay $0x3  }
0x33: {  	p0 =	seq.s32 s10, $0x1;
	s10 =	sld [smem:$0x3FB9];
	_ =	sdelay $0x3  }
0x34: {  	[smem:$0x3FB9] =	sst s10  }
0x35: {  	s10 =	sld [smem:$0x3FB8];
	_ =	sdelay $0x3  }
0x36: {  	p1 =	seq.s32 s10, $0x1;
	s10 =	sld [smem:$0x3FB9];
	_ =	sdelay $0x3  }
0x37: {  	[smem:$0x3FB9] =	sst s10  }
0x38: {  	s10 =	sld [smem:$0x3FBA]  }
0x39: {  	_ = 	snop;
	(pc) =	sbr.ind lr, $3  }
0x3a: {  	_ = 	snop  }
0x3b: {  	_ = 	snop  }
0x3c: {  	p2 =	seq.s32 s10, $0x1;
	s10 =	sld [smem:$0x3FB9]  }
0x3d: {  	_ =	shalt  }
0x3e: {  	_ =	shalt  }
0x3f: {  	_ =	shalt  }
0x40: {  	_ =	shalt  }
0x41: {  	_ =	shalt  }
0x42: {  	_ =	shalt  }
0x43: {  	_ =	shalt  }
0x44: {  	_ =	shalt  }
0x45: {  	_ =	shalt  }
0x46: {  	_ =	shalt  }
0x47: {  	_ =	shalt  }
0x48: {  	_ =	shalt  }
0x49: {  	_ =	shalt  }
0x4a: {  	_ =	shalt  }
0x4b: {  	_ =	shalt  }
0x4c: {  	_ =	shalt  }
0x4d: {  	_ =	shalt  }
0x4e: {  	_ =	shalt  }
0x4f: {  	_ =	shalt  }
0x50: {  	_ =	shalt  }
0x51: {  	_ =	shalt  }
0x52: {  	_ =	shalt  }
0x53: {  	_ =	shalt  }
0x54: {  	_ =	shalt  }
0x55: {  	_ =	shalt  }
0x56: {  	_ =	shalt  }
0x57: {  	_ =	shalt  }
0x58: {  	_ =	shalt  }
0x59: {  	_ =	shalt  }
0x5a: {  	_ =	shalt  }
0x5b: {  	_ =	shalt  }
0x5c: {  	_ =	shalt  }
0x5d: {  	_ =	shalt  }
0x5e: {  	_ =	shalt  }
0x5f: {  	_ =	shalt  }
0x60: {  	_ =	shalt  }
0x61: {  	_ =	shalt  }
0x62: {  	_ =	shalt  }
0x63: {  	_ =	shalt  }
0x64: {  	_ =	shalt  }
0x65: {  	_ =	shalt  }
0x66: {  	_ =	shalt  }
0x67: {  	_ =	shalt  }
0x68: {  	_ =	shalt  }
0x69: {  	_ =	shalt  }
0x6a: {  	_ =	shalt  }
0x6b: {  	_ =	shalt  }
0x6c: {  	_ =	shalt  }
0x6d: {  	_ =	shalt  }
0x6e: {  	_ =	shalt  }
0x6f: {  	_ =	shalt  }
0x70: {  	_ =	shalt  }
0x71: {  	_ =	shalt  }
0x72: {  	_ =	shalt  }
0x73: {  	_ =	shalt  }
0x74: {  	_ =	shalt  }
0x75: {  	_ =	shalt  }
0x76: {  	_ =	shalt  }
0x77: {  	_ =	shalt  }
0x78: {  	_ =	shalt  }
0x79: {  	_ =	shalt  }
0x7a: {  	_ =	shalt  }
0x7b: {  	_ =	shalt  }
0x7c: {  	_ =	shalt  }
0x7d: {  	_ =	shalt  }
0x7e: {  	_ =	shalt  }
0x7f: {  	_ =	shalt  }
0x80: {  	_ =	shalt  }
0x81: {  	_ =	shalt  }
0x82: {  	_ =	shalt  }
0x83: {  	_ =	shalt  }
0x84: {  	_ =	shalt  }
0x85: {  	_ =	shalt  }
0x86: {  	_ =	shalt  }
0x87: {  	_ =	shalt  }
.Lfunc_end0:
.L_simem_size_0:
called_computation_lowered:
.L_overlay_start_0:
0x88: {  	s2 =	sld [smem:$0x3FD9]  }
0x89: {  	s3 =	sld [smem:$0x3FFE];
	_ =	sdelay $0x1  }
0x8a: {  	s1 =	srdreg.scid  }
0x8b: {  	s0 =	sand.u32 $0x1, s1  }
0x8c: {  	s14 =	sshll.u32 s0, $0xA;
	s2 =	sadd.s32 s3, s2  }
0x8d: {  	s2 =	sadd.s32 s2, s14  }
0x8e: {  	[smem:$0x3FC5] =	sst s2  }
0x8f: {  	_ = 	snop  }
0x90: {  	s2 =	sld [smem:$0x3FD0];
	_ =	sdelay $0x2  }
0x91: {  	s4 =	simm.s32 $0xA;
	s5 =	simm.s32 $0x10;
	s15 =	sld [smem:$0x3FC9]  }
0x92: {  	[smem:s5], [sflag:s4] =	dma.local [hbm:s2], $0x1  }
0x93: {  	_ =	swait.eq [sflag:s4], $0x1  }
0x94: {  	[sflag:s4] =	ssyncset.done $0x0  }
0x95: {  	[sflag:s4] =	ssyncadd.s32 $0xFFFFFFFF  }
0x96: {  	s16 =	sld [smem:$0x10];
	(tm) =	ssettm $0x1  }
0x97: {  	s17 =	sld [smem:$0x3FFB];
	_ =	sdelay $0x3  }
0x98: {  	_ =	strace s17  }
0x99: {  	s4 =	sld [smem:$0x3FFC];
	_ =	sdelay $0x3  }
0x9a: {  	_ =	strace s4  }
0x9b: {  	s4 =	sld [smem:$0x3FFD];
	_ =	sdelay $0x3  }
0x9c: {  	_ =	strace s4  }
0x9d: {  	_ =	strace $0x8FFFFFFF  }
0x9e: {  	s18 =	sld [smem:$0x3FDB];
	_ =	sdelay $0x1  }
0x9f: {  	s19 =	simm.s32 $_scs_section_size  }
0xa0: {  	s6 =	simm.s32 $_size__tile_overlayer_lowered;
	s7 =	simm.s32 $_tile_overlayer_lowered  }
0xa1: {  	s22 =	simm.s32 $0x1BFF;
	s21 =	sshll.u32 s7, $0x1;
	s4 =	sadd.s32 s19, s18  }
0xa2: {  	s8 =	simm.s32 $0x0;
	s20 =	sshll.u32 s6, $0x1;
	s6 =	sadd.s32 s21, s4  }
0xa3: {  	[timem:s8], [sflag:s22] =	dma.local [hbm:s6], s20  }
0xa4: {  	_ =	swait.ge [sflag:s22], s20  }
0xa5: {  	s5 =	ssub.s32 $0x0, s20;
	[sflag:s22] =	ssyncset.done $0x0  }
0xa6: {  	[sflag:s22] =	ssyncadd.s32 s5;
	_ =	sdelay $0x1  }
0xa7: {  	s23 =	simm.s32 $0x1B8B  }
0xa8: {  	_ =	swait.ge [sflag:s23], $0x1  }
0xa9: {  	[sflag:s23] =	ssyncset.done $0x0  }
0xaa: {  	s25 =	simm.s32 $0x1B8E;
	s24 =	sld [smem:$0x3FFE];
	[sflag:s23] =	ssyncadd.s32 $0xFFFFFFFF  }
0xab: {  	s26 =	simm.s32 $execute0_lowered;
	[smem:$0x3FD2] =	sst s25  }
0xac: {  	s6 =	sshll.u32 s26, $0x1;
	_ =	strace $0x80000046;
	[dreg:$0x1] =	wrdreg $0xFFFFFFFF  }
0xad: {  	s28 =	simm.s32 $_size_execute0_lowered;
	s4 =	sadd.s32 s4, s6;
	[dreg:$0x0] =	wrdreg $0x0  }
0xae: {  	s6 =	sshll.u32 s28, $0x1;
	[dreg:$0x2] =	wrdreg s4  }
0xaf: {  	[dreg:$0x3] =	wrdreg s6  }
0xb0: {  	[dreg:$0x4] =	wrdreg $0xC0  }
0xb1: {  	_ =	task [dreg:s8], $0x5FFFF  }
0xb2: {  	[dreg:$0x1] =	wrdreg $0xFFFFFFFF  }
0xb3: {  	[dreg:$0x0] =	wrdreg $0x60  }
0xb4: {  	[dreg:$0x2] =	wrdreg s15  }
0xb5: {  	[dreg:$0x3] =	wrdreg s24  }
0xb6: {  	[dreg:$0x4] =	wrdreg s16  }
0xb7: {  	[dreg:$0x5] =	wrdreg $0x9  }
0xb8: {  	_ =	task.clear_ibuf [dreg:s8], $0x6FFFF;
	_ =	strace $0x90000046  }
0xb9: {  	s29 =	simm.s32 $0x9;
	_ =	strace $0x80000048  }
0xba: {  	_ =	swait.ge [sflag:s29], $0x1  }
0xbb: {  	[sflag:s29] =	ssyncadd.s32 $0xFFFFFFFF  }
0xbc: {  	_ =	strace $0x90000048  }
0xbd: {  	_ =	sfence  }
0xbe: {  	s30 =	sld [smem:$0x0];
	_ =	sdelay $0x2  }
0xbf: {  	s31 =	sshll.u32 s1, $0xD;
	s1 =	sshrl.u32 s1, $0x2  }
0xc0: {  	s3 =	sand.u32 $0x4000, s31;
	s1 =	sadd.s32 s1, s30  }
0xc1: {  	s0 =	sor.u32 s3, s0;
	s1 =	sshll.u32 s1, $0x11  }
0xc2: {  	s0 =	sor.u32 s1, s0  }
0xc3: {  	s0 =	sadd.s32 $0x8F2B, s0  }
0xc4: {  	[sflag:s0] =	ssyncadd.remote.s32 $0x1  }
0xc5: {  	_ =	sfence.sel $0xFFFF  }
0xc6: {  	[dreg:$0x0] =	wrdreg $0xFFFFFFFF;
	(pc) =	sbr.abs _section_cstart, $3  }
0xc7: {  	[dreg:$0x1] =	wrdreg $0xFFFFFFFF  }
0xc8: {  	_ =	task.clear_ibuf [dreg:s8], $0x2FFFF;
	_ =	strace $0x9FFFFFFF  }
0xc9: {  	(tm) =	ssettm $0x7FFFFFFF  }
tec
execute0_lowered:
.L_overlay_start_1:
0x0: {  	(tag) =	ssettag $0x1  }
0x1: {  	s0 =	rddreg [dreg:$0x0]  }
0x2: {  	s1 =	rddreg [dreg:$0x1];
	s2 =	simm.s32 $0x0;
	s24 =	srdreg.scid  }
0x3: {  	s5 =	stileid.u32;
	s11 =	simm.s32 $0x2;
	s12 =	simm.s32 $0x100  }
0x4: {  	s28 =	simm.s32 $0x6900;
	s29 =	simm.s32 $0x7100;
	s30 =	simm.s32 $0x7900  }
0x5: {  	s31 =	simm.s32 $0x8100;
	s10 =	simm.s32 $0x9900;
	s14 =	simm.s32 $0xB100  }
0x6: {  	s16 =	simm.s32 $0xB900;
	s17 =	simm.s32 $0x1;
	s19 =	simm.s32 $0x0  }
0x7: {  	[smem:$0x7FF] =	sst s2;
	s4 =	sadd.s32 $0xA000, s1;
	s2 =	sand.u32 $0x1, s24  }
0x8: {  	s3 =	sshrl.u32 s5, $0x2;
	s8 =	sshll.u32 s5, $0x1;
	s6 =	sadd.s32 $0x9000, s1  }
0x9: {  	_ =	strace $0x80000047;
	s7 =	ssub.s32 $0x2, s2;
	s8 =	sand.u32 $0x6, s8  }
0xa: {  	s5 =	smul.u32 $0x600000, s3;
	s25 =	sshrl.u32 s7, $0x1;
	s2 =	sor.u32 s2, s8  }
0xb: {  	s8 =	sshll.u32 s3, $0x7;
	s3 =	simm.s32 $0xA900;
	s1 =	ssub.s32 s7, s25  }
0xc: {  	s9 =	sshrl.u32 s5, $0x3;
	s7 =	sshll.u32 s2, $0xA;
	s25 =	simm.s32 $0x5900  }
0xd: {  	v2 =	vlaneseq.u32;
	s2 =	simm.s32 $0x9100;
	s9 =	sadd.s32 s0, s9;
	s26 =	smax.u32 s1, $0x1  }
0xe: {  	vm0 =	vmmov $0xffff;
	v3 =	vimm.s32 $0x0;
	v1 =	vshrl.u32 v2, $0x3;
	s0 =	simm.s32 $0x8900;
	s1 =	simm.s32 $0xA100;
	[dreg:$0x4] =	wrdreg s26  }
0xf: {  	v0 =	vand.u32 $0x7, v2;
	v2 =	vor.u32 $0x8, v2;
	v1 =	vmul.u32 $0x8, v1;
	s13 =	sadd.s32 $0x100, s9;
	s15 =	sadd.s32 $0x200, s9;
	s26 =	simm.s32 $0x6100  }
.LBB2_1:
0x10: {  	[dreg:$0x5] =	wrdreg s19;
	s18 =	simm.s32 $0x0  }
.LBB2_2:
0x11: {  	s20 =	sshll.u32 s18, $0x6  }
0x12: {  	s19 =	sadd.s32 s7, s20  }
0x13: {  	s21 =	sshll.u32 s19, $0x2  }
0x14: {  	s21 =	sand.u32 $0x7E00, s21  }
0x15: {  	s20 =	sand.u32 $0x40, s20;
	s21 =	sor.u32 s8, s21  }
0x16: {  	s20 =	sor.u32 s20, s21  }
0x17: {  	s21 =	sshrl.u32 s20, $0x3  }
0x18: {  	s20 =	simm.s32 $0x0;
	s22 =	sadd.s32 s4, s21  }
0x19: {  	[tilespmem:s20], [sflag:$0x2] =	stream.linear.gather [hbm4b:s22+s20], $0x40, $0x38;
	[tilespmem:$0xC100] =	vst v63  }
0x1a: {  	_ =	swait.ge [sflag:s11], $0x40  }
0x1b: {  	[sflag:s11] =	ssyncset.done $0x0  }
0x1c: {  	s24 =	sadd.s32 s6, s21;
	s21 =	simm.s32 $0x80;
	[sflag:s11] =	ssyncadd.s32 $0xFFFFFFC0  }
0x1d: {  	[tilespmem:s21], [sflag:$0x2] =	stream.linear.gather [hbm4b:s24+s20], $0x40, $0x38;
	[tilespmem:$0xC100] =	vst v63  }
0x1e: {  	_ =	swait.ge [sflag:s11], $0x40  }
0x1f: {  	[sflag:s11] =	ssyncset.done $0x0  }
0x20: {  	[sflag:s11] =	ssyncadd.s32 $0xFFFFFFC0  }
0x21: {  	v4 =	vld [tilespmem:$0x0];
	_ =	sdelay $0x4  }
0x22: {  	v5 =	vshrl.u32 v4, $0x3  }
0x23: {  	v5 =	vmul.u32 $0x30, v5  }
0x24: {  	v4 =	vand.u32 $0x7, v4  }
0x25: {  	v4 =	vor.u32 v4, v5  }
0x26: {  	v5 =	vperm.xlane v4, v0;
	_ =	sdelay $0x1  }
0x27: {  	v5 =	vadd.s32 v1, v5;
	_ =	sdelay $0x3  }
0x28: {  	v4 =	vperm.xlane v4, v2  }
0x29: {  	[tilespmem:s12], [sflag:$0x1] =	stream.indirect_vreg.gather [hbm4b:s9+s20], $0x80, v5, vm0, $0xb8;
	[tilespmem:$0xC100] =	vst v63  }
0x2a: {  	s23 =	simm.s32 $0x900;
	v4 =	vadd.s32 v1, v4  }
0x2b: {  	[tilespmem:s23], [sflag:$0x1] =	stream.indirect_vreg.gather [hbm4b:s13+s20], $0x80, v5, vm0, $0xb8;
	[tilespmem:$0xC100] =	vst v63  }
0x2c: {  	s24 =	simm.s32 $0x1100  }
0x2d: {  	[tilespmem:s24], [sflag:$0x1] =	stream.indirect_vreg.gather [hbm4b:s15+s20], $0x80, v5, vm0, $0xb8;
	[tilespmem:$0xC100] =	vst v63  }
0x2e: {  	s23 =	simm.s32 $0x1900  }
0x2f: {  	[tilespmem:s23], [sflag:$0x1] =	stream.indirect_vreg.gather [hbm4b:s9+s20], $0x80, v4, vm0, $0xb8;
	[tilespmem:$0xC100] =	vst v63  }
0x30: {  	s24 =	simm.s32 $0x2100  }
0x31: {  	[tilespmem:s24], [sflag:$0x1] =	stream.indirect_vreg.gather [hbm4b:s13+s20], $0x80, v4, vm0, $0xb8;
	[tilespmem:$0xC100] =	vst v63  }
0x32: {  	s23 =	simm.s32 $0x2900  }
0x33: {  	[tilespmem:s23], [sflag:$0x1] =	stream.indirect_vreg.gather [hbm4b:s15+s20], $0x80, v4, vm0, $0xb8;
	[tilespmem:$0xC100] =	vst v63  }
0x34: {  	v4 =	vld [tilespmem:$0x10];
	_ =	sdelay $0x4  }
0x35: {  	v5 =	vshrl.u32 v4, $0x3  }
0x36: {  	v5 =	vmul.u32 $0x30, v5  }
0x37: {  	v4 =	vand.u32 $0x7, v4  }
0x38: {  	v4 =	vor.u32 v4, v5  }
0x39: {  	v5 =	vperm.xlane v4, v0;
	_ =	sdelay $0x1  }
0x3a: {  	v5 =	vadd.s32 v1, v5;
	_ =	sdelay $0x3  }
0x3b: {  	s24 =	simm.s32 $0x3100;
	v4 =	vperm.xlane v4, v2  }
0x3c: {  	[tilespmem:s24], [sflag:$0x1] =	stream.indirect_vreg.gather [hbm4b:s9+s20], $0x80, v5, vm0, $0xb8;
	[tilespmem:$0xC100] =	vst v63  }
0x3d: {  	s23 =	simm.s32 $0x3900;
	v4 =	vadd.s32 v1, v4  }
0x3e: {  	[tilespmem:s23], [sflag:$0x1] =	stream.indirect_vreg.gather [hbm4b:s13+s20], $0x80, v5, vm0, $0xb8;
	[tilespmem:$0xC100] =	vst v63  }
0x3f: {  	s24 =	simm.s32 $0x4100  }
0x40: {  	[tilespmem:s24], [sflag:$0x1] =	stream.indirect_vreg.gather [hbm4b:s15+s20], $0x80, v5, vm0, $0xb8;
	[tilespmem:$0xC100] =	vst v63  }
0x41: {  	s23 =	simm.s32 $0x4900  }
0x42: {  	[tilespmem:s23], [sflag:$0x1] =	stream.indirect_vreg.gather [hbm4b:s9+s20], $0x80, v4, vm0, $0xb8;
	[tilespmem:$0xC100] =	vst v63  }
0x43: {  	s24 =	simm.s32 $0x5100  }
0x44: {  	[tilespmem:s24], [sflag:$0x1] =	stream.indirect_vreg.gather [hbm4b:s13+s20], $0x80, v4, vm0, $0xb8;
	[tilespmem:$0xC100] =	vst v63  }
0x45: {  	_ = 	snop  }
0x46: {  	[tilespmem:s25], [sflag:$0x1] =	stream.indirect_vreg.gather [hbm4b:s15+s20], $0x80, v4, vm0, $0xb8;
	[tilespmem:$0xC100] =	vst v63  }
0x47: {  	v4 =	vld [tilespmem:$0x20];
	_ =	sdelay $0x4  }
0x48: {  	v5 =	vshrl.u32 v4, $0x3  }
0x49: {  	v5 =	vmul.u32 $0x30, v5  }
0x4a: {  	v4 =	vand.u32 $0x7, v4  }
0x4b: {  	v4 =	vor.u32 v4, v5  }
0x4c: {  	v5 =	vperm.xlane v4, v0;
	_ =	sdelay $0x1  }
0x4d: {  	v5 =	vadd.s32 v1, v5;
	_ =	sdelay $0x3  }
0x4e: {  	v4 =	vperm.xlane v4, v2  }
0x4f: {  	[tilespmem:s26], [sflag:$0x1] =	stream.indirect_vreg.gather [hbm4b:s9+s20], $0x80, v5, vm0, $0xb8;
	[tilespmem:$0xC100] =	vst v63  }
0x50: {  	v4 =	vadd.s32 v1, v4  }
0x51: {  	[tilespmem:s28], [sflag:$0x1] =	stream.indirect_vreg.gather [hbm4b:s13+s20], $0x80, v5, vm0, $0xb8;
	[tilespmem:$0xC100] =	vst v63  }
0x52: {  	_ = 	snop  }
0x53: {  	[tilespmem:s29], [sflag:$0x1] =	stream.indirect_vreg.gather [hbm4b:s15+s20], $0x80, v5, vm0, $0xb8;
	[tilespmem:$0xC100] =	vst v63  }
0x54: {  	_ = 	snop  }
0x55: {  	[tilespmem:s30], [sflag:$0x1] =	stream.indirect_vreg.gather [hbm4b:s9+s20], $0x80, v4, vm0, $0xb8;
	[tilespmem:$0xC100] =	vst v63  }
0x56: {  	_ = 	snop  }
0x57: {  	[tilespmem:s31], [sflag:$0x1] =	stream.indirect_vreg.gather [hbm4b:s13+s20], $0x80, v4, vm0, $0xb8;
	[tilespmem:$0xC100] =	vst v63  }
0x58: {  	_ = 	snop  }
0x59: {  	[tilespmem:s0], [sflag:$0x1] =	stream.indirect_vreg.gather [hbm4b:s15+s20], $0x80, v4, vm0, $0xb8;
	[tilespmem:$0xC100] =	vst v63  }
0x5a: {  	v4 =	vld [tilespmem:$0x30];
	_ =	sdelay $0x4  }
0x5b: {  	v5 =	vshrl.u32 v4, $0x3  }
0x5c: {  	v5 =	vmul.u32 $0x30, v5  }
0x5d: {  	v4 =	vand.u32 $0x7, v4  }
0x5e: {  	v4 =	vor.u32 v4, v5  }
0x5f: {  	v5 =	vperm.xlane v4, v0;
	_ =	sdelay $0x1  }
0x60: {  	v5 =	vadd.s32 v1, v5;
	_ =	sdelay $0x3  }
0x61: {  	v4 =	vperm.xlane v4, v2  }
0x62: {  	[tilespmem:s2], [sflag:$0x1] =	stream.indirect_vreg.gather [hbm4b:s9+s20], $0x80, v5, vm0, $0xb8;
	[tilespmem:$0xC100] =	vst v63  }
0x63: {  	v4 =	vadd.s32 v1, v4  }
0x64: {  	[tilespmem:s10], [sflag:$0x1] =	stream.indirect_vreg.gather [hbm4b:s13+s20], $0x80, v5, vm0, $0xb8;
	[tilespmem:$0xC100] =	vst v63  }
0x65: {  	_ = 	snop  }
0x66: {  	[tilespmem:s1], [sflag:$0x1] =	stream.indirect_vreg.gather [hbm4b:s15+s20], $0x80, v5, vm0, $0xb8;
	[tilespmem:$0xC100] =	vst v63  }
0x67: {  	_ = 	snop  }
0x68: {  	[tilespmem:s3], [sflag:$0x1] =	stream.indirect_vreg.gather [hbm4b:s9+s20], $0x80, v4, vm0, $0xb8;
	[tilespmem:$0xC100] =	vst v63  }
0x69: {  	_ = 	snop  }
0x6a: {  	[tilespmem:s14], [sflag:$0x1] =	stream.indirect_vreg.gather [hbm4b:s13+s20], $0x80, v4, vm0, $0xb8;
	[tilespmem:$0xC100] =	vst v63  }
0x6b: {  	_ = 	snop  }
0x6c: {  	[tilespmem:s16], [sflag:$0x1] =	stream.indirect_vreg.gather [hbm4b:s15+s20], $0x80, v4, vm0, $0xb8;
	[tilespmem:$0xC100] =	vst v63  }
0x6d: {  	_ =	swait.ge [sflag:s17], $0xC000  }
0x6e: {  	[sflag:s17] =	ssyncset.done $0x0  }
0x6f: {  	s22 =	simm.s32 $0x0;
	[sflag:s17] =	ssyncadd.s32 $0xFFFF4000  }
.LBB2_3:
0x70: {  	s23 =	sshrl.u32 s22, $0x3  }
0x71: {  	s23 =	smul.u32 $0x6000, s23;
	_ =	sdelay $0x1  }
0x72: {  	v4 =	vld [tilespmem:s21+$0x0];
	s24 =	sand.u32 $0x380, s20;
	s23 =	sshra.s32 s23, $0x2  }
0x73: {  	s23 =	sor.u32 s24, s23  }
0x74: {  	v5 =	vld [tilespmem:s23+$0x100]  }
0x75: {  	v6 =	vld [tilespmem:s23+$0x110]  }
0x76: {  	v7 =	vld [tilespmem:s23+$0x120]  }
0x77: {  	v4 =	vperm.xlane v4, v3;
	v8 =	vld [tilespmem:s23+$0x130]  }
0x78: {  	v9 =	vld [tilespmem:s23+$0x140]  }
0x79: {  	v10 =	vld [tilespmem:s23+$0x150];
	v5 =	vmul.f32 v5, v4  }
0x7a: {  	v11 =	vld [tilespmem:s23+$0x160];
	v6 =	vmul.f32 v6, v4  }
0x7b: {  	v53 =	vld [tilespmem:s23+$0x170];
	[tilespmem:s23+$0x100] =	vst v5;
	v5 =	vmul.f32 v7, v4  }
0x7c: {  	v55 =	vld [tilespmem:s23+$0x500];
	v54 =	vmul.f32 v8, v4;
	[tilespmem:s23+$0x110] =	vst v6  }
0x7d: {  	v56 =	vld [tilespmem:s23+$0x510];
	[tilespmem:s23+$0x120] =	vst v5;
	v5 =	vmul.f32 v9, v4  }
0x7e: {  	v58 =	vld [tilespmem:s23+$0x520];
	v57 =	vmul.f32 v10, v4;
	[tilespmem:s23+$0x130] =	vst v54  }
0x7f: {  	v59 =	vld [tilespmem:s23+$0x530];
	[tilespmem:s23+$0x140] =	vst v5;
	v5 =	vmul.f32 v11, v4  }
0x80: {  	v61 =	vld [tilespmem:s23+$0x540];
	v60 =	vmul.f32 v53, v4;
	[tilespmem:s23+$0x150] =	vst v57  }
0x81: {  	v62 =	vld [tilespmem:s23+$0x550];
	[tilespmem:s23+$0x160] =	vst v5;
	v5 =	vmul.f32 v55, v4  }
0x82: {  	v12 =	vld [tilespmem:s23+$0x560];
	v63 =	vmul.f32 v56, v4;
	[tilespmem:s23+$0x170] =	vst v60  }
0x83: {  	v13 =	vld [tilespmem:s23+$0x570];
	[tilespmem:s23+$0x500] =	vst v5;
	v5 =	vmul.f32 v58, v4  }
0x84: {  	v15 =	vld [tilespmem:s23+$0x900];
	v14 =	vmul.f32 v59, v4;
	[tilespmem:s23+$0x510] =	vst v63  }
0x85: {  	v16 =	vld [tilespmem:s23+$0x910];
	[tilespmem:s23+$0x520] =	vst v5;
	v5 =	vmul.f32 v61, v4  }
0x86: {  	v18 =	vld [tilespmem:s23+$0x920];
	v17 =	vmul.f32 v62, v4;
	[tilespmem:s23+$0x530] =	vst v14  }
0x87: {  	v19 =	vld [tilespmem:s23+$0x930];
	[tilespmem:s23+$0x540] =	vst v5;
	v5 =	vmul.f32 v12, v4  }
0x88: {  	v21 =	vld [tilespmem:s23+$0x940];
	v20 =	vmul.f32 v13, v4;
	[tilespmem:s23+$0x550] =	vst v17  }
0x89: {  	v22 =	vld [tilespmem:s23+$0x950];
	[tilespmem:s23+$0x560] =	vst v5;
	v5 =	vmul.f32 v15, v4  }
0x8a: {  	v24 =	vld [tilespmem:s23+$0x960];
	v23 =	vmul.f32 v16, v4;
	[tilespmem:s23+$0x570] =	vst v20  }
0x8b: {  	v25 =	vld [tilespmem:s23+$0x970];
	[tilespmem:s23+$0x900] =	vst v5;
	v5 =	vmul.f32 v18, v4  }
0x8c: {  	v27 =	vld [tilespmem:s23+$0xD00];
	v26 =	vmul.f32 v19, v4;
	[tilespmem:s23+$0x910] =	vst v23  }
0x8d: {  	v28 =	vld [tilespmem:s23+$0xD10];
	[tilespmem:s23+$0x920] =	vst v5;
	v5 =	vmul.f32 v21, v4  }
0x8e: {  	v30 =	vld [tilespmem:s23+$0xD20];
	v29 =	vmul.f32 v22, v4;
	[tilespmem:s23+$0x930] =	vst v26  }
0x8f: {  	v31 =	vld [tilespmem:s23+$0xD30];
	[tilespmem:s23+$0x940] =	vst v5;
	v5 =	vmul.f32 v24, v4  }
0x90: {  	v33 =	vld [tilespmem:s23+$0xD40];
	v32 =	vmul.f32 v25, v4;
	[tilespmem:s23+$0x950] =	vst v29  }
0x91: {  	v34 =	vld [tilespmem:s23+$0xD50];
	[tilespmem:s23+$0x960] =	vst v5;
	v5 =	vmul.f32 v27, v4  }
0x92: {  	v36 =	vld [tilespmem:s23+$0xD60];
	v35 =	vmul.f32 v28, v4;
	[tilespmem:s23+$0x970] =	vst v32  }
0x93: {  	v37 =	vld [tilespmem:s23+$0xD70];
	[tilespmem:s23+$0xD00] =	vst v5;
	v5 =	vmul.f32 v30, v4  }
0x94: {  	v39 =	vld [tilespmem:s23+$0x1100];
	v38 =	vmul.f32 v31, v4;
	[tilespmem:s23+$0xD10] =	vst v35  }
0x95: {  	v40 =	vld [tilespmem:s23+$0x1110];
	[tilespmem:s23+$0xD20] =	vst v5;
	v5 =	vmul.f32 v33, v4  }
0x96: {  	v42 =	vld [tilespmem:s23+$0x1120];
	v41 =	vmul.f32 v34, v4;
	[tilespmem:s23+$0xD30] =	vst v38  }
0x97: {  	v43 =	vld [tilespmem:s23+$0x1130];
	[tilespmem:s23+$0xD40] =	vst v5;
	v5 =	vmul.f32 v36, v4  }
0x98: {  	v45 =	vld [tilespmem:s23+$0x1140];
	v44 =	vmul.f32 v37, v4;
	[tilespmem:s23+$0xD50] =	vst v41  }
0x99: {  	v46 =	vld [tilespmem:s23+$0x1150];
	[tilespmem:s23+$0xD60] =	vst v5;
	v5 =	vmul.f32 v39, v4  }
0x9a: {  	v48 =	vld [tilespmem:s23+$0x1160];
	v47 =	vmul.f32 v40, v4;
	[tilespmem:s23+$0xD70] =	vst v44  }
0x9b: {  	v49 =	vld [tilespmem:s23+$0x1170];
	[tilespmem:s23+$0x1100] =	vst v5;
	v5 =	vmul.f32 v42, v4  }
0x9c: {  	v51 =	vld [tilespmem:s23+$0x1500];
	v50 =	vmul.f32 v43, v4;
	[tilespmem:s23+$0x1110] =	vst v47  }
0x9d: {  	v52 =	vld [tilespmem:s23+$0x1510];
	[tilespmem:s23+$0x1120] =	vst v5;
	v5 =	vmul.f32 v45, v4  }
0x9e: {  	v53 =	vmul.f32 v46, v4;
	[tilespmem:s23+$0x1130] =	vst v50;
	v54 =	vld [tilespmem:s23+$0x1520]  }
0x9f: {  	v55 =	vld [tilespmem:s23+$0x1530];
	[tilespmem:s23+$0x1140] =	vst v5;
	v5 =	vmul.f32 v48, v4  }
0xa0: {  	v56 =	vmul.f32 v49, v4;
	[tilespmem:s23+$0x1150] =	vst v53;
	v57 =	vld [tilespmem:s23+$0x1540]  }
0xa1: {  	v58 =	vld [tilespmem:s23+$0x1550];
	[tilespmem:s23+$0x1160] =	vst v5;
	v5 =	vmul.f32 v51, v4  }
0xa2: {  	v59 =	vmul.f32 v52, v4;
	[tilespmem:s23+$0x1170] =	vst v56;
	v60 =	vld [tilespmem:s23+$0x1560]  }
0xa3: {  	v61 =	vld [tilespmem:s23+$0x1570];
	[tilespmem:s23+$0x1500] =	vst v5;
	v5 =	vmul.f32 v54, v4  }
0xa4: {  	[tilespmem:s23+$0x1510] =	vst v59;
	v62 =	vmul.f32 v55, v4  }
0xa5: {  	p0 =	sne.s32 s22, $0x3F;
	[tilespmem:s23+$0x1520] =	vst v5;
	v5 =	vmul.f32 v57, v4  }
.Ltmp0:
0xa6: {  	[tilespmem:s23+$0x1530] =	vst v62;
	v63 =	vmul.f32 v58, v4;
	(pc) =	sbr.rel @p0 .LBB2_3-.Ltmp0, $4  }
0xa7: {  	[tilespmem:s23+$0x1540] =	vst v5;
	v5 =	vmul.f32 v60, v4  }
0xa8: {  	[tilespmem:s23+$0x1550] =	vst v63;
	v4 =	vmul.f32 v61, v4  }
0xa9: {  	[tilespmem:s23+$0x1560] =	vst v5  }
0xaa: {  	s20 =	sadd.s32 $0x80, s20;
	s21 =	sadd.s32 $0x1, s21;
	s22 =	sadd.s32 $0x1, s22;
	[tilespmem:s23+$0x1570] =	vst v4  }
0xab: {  	s19 =	sshrl.u32 s19, $0x3  }
0xac: {  	s19 =	smul.u32 $0x1800, s19;
	_ =	sdelay $0x1  }
0xad: {  	s18 =	sadd.s32 $0x1, s18;
	s19 =	sadd.s32 s5, s19  }
0xae: {  	s20 =	rddreg [dreg:$0x2];
	p0 =	sne.s32 s18, $0x10;
	s19 =	sshrl.u32 s19, $0x3  }
.Ltmp1:
0xaf: {  	s24 =	simm.s32 $0x0;
	s19 =	sadd.s32 s20, s19;
	(pc) =	sbr.rel @p0 .LBB2_2-.Ltmp1, $4  }
0xb0: {  	[hbm4b:s19+s24] =	stream.linear.scatter [tilespmem:s12], [sflag:$0x2], $0xC000, $0x38;
	[tilespmem:$0xC100] =	vst v63  }
0xb1: {  	_ =	swait.ge [sflag:s11], $0xC000  }
0xb2: {  	[sflag:s11] =	ssyncset.done $0x0  }
0xb3: {  	[sflag:s11] =	ssyncadd.s32 $0xFFFF4000  }
0xb4: {  	s19 =	rddreg [dreg:$0x5]  }
0xb5: {  	s18 =	rddreg [dreg:$0x4];
	s19 =	sadd.s32 $0x1, s19  }
0xb6: {  	p0 =	sne.s32 s19, s18  }
.Ltmp2:
0xb7: {  	_ = 	snop;
	(pc) =	sbr.rel @p0 .LBB2_1-.Ltmp2, $1  }
0xb8: {  	_ =	sdelay $0x3  }
0xb9: {  	_ =	sfence.sel $0x180000  }
0xba: {  	[bflag:$0x0] =	sbarrier.arrive $0xFFFF  }
0xbb: {  	_ =	strace $0x90000047  }
0xbc: {  	s0 =	stileid.u32;
	[bflag:$0x2] =	sbarrier.arrive $0xFFFF  }
0xbd: {  	p0 =	sne.s32 s0, $0x0;
	s0 =	rddreg [dreg:$0x3]  }
0xbe: {  	s0 =	sadd.s32 @!p0 $0x100000, s0  }
0xbf: {  	[sflag:s0] =	ssyncadd.tile.s32 @!p0 $0x1;
	_ =	shalt  }
.Lfunc_end2:
_tile_overlayer_lowered:
.L_overlay_start_2:
0xc0: {  	(tag) =	ssettag $0x2  }
0xc1: {  	s0 =	rddreg [dreg:$0x0];
	s2 =	stileid.u32  }
0xc2: {  	s1 =	rddreg [dreg:$0x1];
	p0 =	sne.s32 s2, $0x0  }
0xc3: {  	s3 =	rddreg [dreg:$0x2];
	[bflag:$0x3] =	sbarrier.arrive $0xFFFF;
	s2 =	simm.s32 @!p0 $0x1C02  }
0xc4: {  	[timem:s3], [sflag:s2] =	dma.local @!p0 [hbm:s0], s1  }
0xc5: {  	s0 =	simm.s32 @!p0 $0x2  }
0xc6: {  	_ =	swait.ge @!p0 [sflag:s0], s1  }
0xc7: {  	s1 =	ssub.s32 @!p0 $0x0, s1;
	[sflag:s0] =	ssyncset.done @!p0 $0x0  }
0xc8: {  	[sflag:s0] =	ssyncadd.s32 @!p0 s1  }
0xc9: {  	[bflag:$0x3] =	sbarrier.arrive $0xFFFF  }
0xca: {  	_ =	shalt  }

</sc_bundles>
